<compile_context>
chip_gen: v7x
topology: tpu7x:2x2x1
jax: 0.10.2.dev20260603
libtpu: 0.0.44.dev20260713+nightly
codegen_flags: <defaults>
</compile_context>

<pallas_src>
import functools

import numpy as np
import jax
import jax.numpy as jnp
from jax import lax
from jax.experimental import pallas as pl
from jax.experimental.pallas import tpu as pltpu
from jax.experimental.pallas import tpu_sc as plsc

DIM = 64
_NC = 2
_NS = 16
_NW = _NC * _NS
_BB = 128
_PAD = 1


def _position_encoding(seq_len, d_model):
    positions = np.arange(seq_len)[:, np.newaxis]
    dims = np.arange(d_model)[np.newaxis, :]
    angles = positions / np.power(10000, 2 * (dims // 2) / d_model)
    pe = np.zeros(angles.shape, dtype=np.float32)
    pe[:, 0::2] = np.sin(angles[:, 0::2])
    pe[:, 1::2] = np.cos(angles[:, 1::2])
    return pe


@functools.lru_cache(maxsize=None)
def _make_kernel(B, L):
    NBB = B // _BB
    n_tasks = L * NBB
    assert B % _BB == 0 and n_tasks % (2 * _NW) == 0
    t_w = n_tasks // _NW
    per_w = t_w * _BB
    DH = DIM // 8

    mesh = plsc.VectorSubcoreMesh(core_axis_name="c", subcore_axis_name="s")

    @functools.partial(
        pl.kernel,
        mesh=mesh,
        compiler_params=pltpu.CompilerParams(
            use_tc_tiling_on_sc=False, needs_layout_passes=False,
            disable_bounds_checks=True),
        out_type=jax.ShapeDtypeStruct((L, DH, NBB, 8, _BB), jnp.float32),
        scratch_types=[
            pltpu.VMEM((per_w,), jnp.int32),
            pltpu.VMEM((L, DIM), jnp.float32),
            pltpu.VMEM((_BB, DIM), jnp.float32),
            pltpu.VMEM((_BB, DIM), jnp.float32),
            pltpu.VMEM((DH, 8, _BB + _PAD), jnp.float32),
            pltpu.VMEM((DH, 8, _BB + _PAD), jnp.float32),
            pltpu.SemaphoreType.DMA,
            pltpu.SemaphoreType.DMA,
            pltpu.SemaphoreType.DMA,
            pltpu.SemaphoreType.DMA,
        ],
    )
    def k(idx_hbm, table_hbm, pe_hbm, out_hbm,
          idx_v, pe_v, g0, g1, t0, t1, sg0, sg1, so0, so1):
        wid = lax.axis_index("s") * _NC + lax.axis_index("c")
        wbase = wid * per_w
        tbase = wid * t_w
        pltpu.sync_copy(idx_hbm.at[pl.ds(wbase, per_w)], idx_v)
        pltpu.sync_copy(pe_hbm, pe_v)

        gbuf = (g0, g1)
        tbuf = (t0, t1)
        gsem = (sg0, sg1)
        osem = (so0, so1)

        lane = lax.iota(jnp.int32, 16)
        dh_vecs = [(16 * g + lane) >> 3 for g in range(DIM // 16)]
        dlo_vecs = [(16 * g + lane) & 7 for g in range(DIM // 16)]

        def gather_start(i, b):
            pltpu.make_async_copy(
                table_hbm.at[idx_v.at[pl.ds(i * _BB, _BB)]], gbuf[b],
                gsem[b]).start()

        def gather_wait(b):
            pltpu.make_async_copy(
                table_hbm.at[idx_v.at[pl.ds(0, _BB)]], gbuf[b],
                gsem[b]).wait()

        def out_descs(i, b):
            t = tbase + i
            l = t // NBB
            bh = lax.rem(t, NBB)
            return pltpu.make_async_copy(
                tbuf[b].at[:, :, pl.ds(0, _BB)], out_hbm.at[l, :, bh],
                osem[b])

        def out_start(i, b):
            out_descs(i, b).start()

        def out_wait(i, b):
            out_descs(i, b).wait()

        gather_start(0, 0)
        gather_start(1, 1)

        def step(cc, carry):
            for b in range(2):
                i = 2 * cc + b
                t = tbase + i
                l = t // NBB
                gather_wait(b)

                @pl.when(i >= 2)
                def _():
                    out_wait(i, b)

                gb, tb = gbuf[b], tbuf[b]
                pe_rows = [pe_v[l, pl.ds(16 * g, 16)]
                           for g in range(DIM // 16)]

                @plsc.parallel_loop(0, _BB, unroll=4)
                def _(r):
                    b_vec = jnp.full((16,), r, jnp.int32)
                    for g in range(DIM // 16):
                        v = gb[r, pl.ds(16 * g, 16)] + pe_rows[g]
                        plsc.store_scatter(
                            tb, [dh_vecs[g], dlo_vecs[g], b_vec], v)

                out_start(i, b)

                @pl.when(i + 2 < t_w)
                def _():
                    gather_start(i + 2, b)
            return carry

        lax.fori_loop(0, t_w // 2, step, 0)

        out_wait(t_w - 2, 0)
        out_wait(t_w - 1, 1)

    return k


def kernel(inputs, table):
    B, L = inputs.shape
    pe = jnp.asarray(_position_encoding(L, DIM))
    idx_t = inputs.T.reshape(-1)
    out5 = _make_kernel(B, L)(idx_t, table, pe)
    return out5.transpose((2, 4, 0, 1, 3)).reshape(B, L, DIM)

# --- scband reference (transcript-rebuilt; emitter-appended) ---
"""Pipeline reference for scband-word-embedding-5789615915668 (READ-ONLY COPY).

The authoritative reference and input builder live on the scoring server;
editing this copy changes nothing except your own understanding.
"""

import jax, jax.numpy as jnp
import numpy as np

VOCAB = 100000
DIM = 64

def position_encoding(seq_len, d_model):
    positions = np.arange(seq_len)[:, np.newaxis]
    dimentions = np.arange(d_model)[np.newaxis, :]
    angles = positions / np.power(10000, 2 * (dimentions // 2) / d_model)
    pos_encoding = np.zeros(angles.shape)
    pos_encoding[:, 0::2] = np.sin(angles[:, 0::2])
    pos_encoding[:, 1::2] = np.cos(angles[:, 1::2])
    return jnp.asarray(pos_encoding, dtype=jnp.float32)

def setup_inputs(seed: int = 0) -> dict:
    key = jax.random.key(seed)
    k1, k2 = jax.random.split(key)
    inputs = jax.random.randint(k1, (1024, 200), 0, VOCAB, dtype=jnp.int64 if jax.config.jax_enable_x64 else jnp.int32).astype(jnp.int32)
    table = jax.random.normal(k2, (VOCAB, DIM), dtype=jnp.float32)
    # nn.Embedding(padding_idx=0): row 0 initialized to zeros
    table = table.at[0].set(0.0)
    return {"inputs": inputs, "table": table}

def reference(inputs, table):
    # x = embed(inputs)
    x = jnp.take(table, inputs, axis=0)
    seq_len = x.shape[1]
    d_model = x.shape[2]
    pe = position_encoding(seq_len, d_model)
    x = x + pe  # broadcasts [L, D] over batch
    return x

if __name__ == "__main__":
    import jax
    _d = setup_inputs()
    print(jax.jit(kernel)(*tuple(_d.values())))

</pallas_src>

<mosaic_0001>
#map = affine_map<(d0, d1) -> (0)>
#map1 = affine_map<(d0, d1) -> (0, 0)>
#map2 = affine_map<(d0, d1) -> (0, 0, 0, 0, 0)>
module attributes {stable_mosaic.version = 14 : i64} {
  func.func @k(%arg0: i32, %arg1: i32, %arg2: memref<204800xi32, #tpu.memory_space<hbm>>, %arg3: memref<100000x64xf32, #tpu.memory_space<hbm>>, %arg4: memref<200x64xf32, #tpu.memory_space<hbm>>, %arg5: memref<200x8x8x8x128xf32, #tpu.memory_space<hbm>>, %arg6: memref<6400xi32, #tpu.memory_space<vmem>>, %arg7: memref<200x64xf32, #tpu.memory_space<vmem>>, %arg8: memref<128x64xf32, #tpu.memory_space<vmem>>, %arg9: memref<128x64xf32, #tpu.memory_space<vmem>>, %arg10: memref<8x8x129xf32, #tpu.memory_space<vmem>>, %arg11: memref<8x8x129xf32, #tpu.memory_space<vmem>>, %arg12: memref<!tpu.dma_semaphore, #tpu.memory_space<semaphore_mem>>, %arg13: memref<!tpu.dma_semaphore, #tpu.memory_space<semaphore_mem>>, %arg14: memref<!tpu.dma_semaphore, #tpu.memory_space<semaphore_mem>>, %arg15: memref<!tpu.dma_semaphore, #tpu.memory_space<semaphore_mem>>) attributes {dimension_semantics = [#tpu.dimension_semantics<core_parallel>, #tpu.dimension_semantics<subcore_parallel>], iteration_bounds = array<i64: 2, 16>, scalar_prefetch = 0 : i64, scratch_operands = 10 : i64, tpu.core_type = #tpu.core_type<sc_vector_subcore>, window_params = [{transform_indices = #map}, {transform_indices = #map1}, {transform_indices = #map1}, {transform_indices = #map2}]} {
    %mul3A = arith.constant 2 : i32
    %mul3A_0 = arith.muli %arg1, %mul3A : i32
    %add3A = arith.addi %mul3A_0, %arg0 : i32
    %mul3A_1 = arith.constant 6400 : i32
    %mul3A_2 = arith.muli %add3A, %mul3A_1 : i32
    %mul3A_3 = arith.constant 50 : i32
    %mul3A_4 = arith.muli %add3A, %mul3A_3 : i32
    "tpu.region"() ({
      %run_scoped3A = tpu.sem_alloc : memref<!tpu.dma_semaphore, #tpu.memory_space<semaphore_mem>>
      %dma_start3A_149 = tpu.memref_slice %arg2[%mul3A_2] : memref<204800xi32, #tpu.memory_space<hbm>> -> memref<6400xi32, #tpu.memory_space<hbm>>
      %dma_start3A_150 = tpu.memref_slice %arg2[%mul3A_2] : memref<204800xi32, #tpu.memory_space<hbm>> -> memref<6400xi32, #tpu.memory_space<hbm>>
      tpu.enqueue_dma source(%dma_start3A_150 : memref<6400xi32, #tpu.memory_space<hbm>>) target(%arg6 : memref<6400xi32, #tpu.memory_space<vmem>>) target_semaphore(%run_scoped3A : memref<!tpu.dma_semaphore, #tpu.memory_space<semaphore_mem>>)
      %dma_wait3A_151 = tpu.memref_slice %arg2[%mul3A_2] : memref<204800xi32, #tpu.memory_space<hbm>> -> memref<6400xi32, #tpu.memory_space<hbm>>
      %dma_wait3A_152 = tpu.memref_slice %arg2[%mul3A_2] : memref<204800xi32, #tpu.memory_space<hbm>> -> memref<6400xi32, #tpu.memory_space<hbm>>
      tpu.wait_dma2 semaphore(%run_scoped3A : memref<!tpu.dma_semaphore, #tpu.memory_space<semaphore_mem>>) src(%dma_wait3A_152 : memref<6400xi32, #tpu.memory_space<hbm>>) dst(%arg6 : memref<6400xi32, #tpu.memory_space<vmem>>)
      tpu.yield
    }) : () -> ()
    "tpu.region"() ({
      %run_scoped3A = tpu.sem_alloc : memref<!tpu.dma_semaphore, #tpu.memory_space<semaphore_mem>>
      tpu.enqueue_dma source(%arg4 : memref<200x64xf32, #tpu.memory_space<hbm>>) target(%arg7 : memref<200x64xf32, #tpu.memory_space<vmem>>) target_semaphore(%run_scoped3A : memref<!tpu.dma_semaphore, #tpu.memory_space<semaphore_mem>>)
      tpu.wait_dma2 semaphore(%run_scoped3A : memref<!tpu.dma_semaphore, #tpu.memory_space<semaphore_mem>>) src(%arg4 : memref<200x64xf32, #tpu.memory_space<hbm>>) dst(%arg7 : memref<200x64xf32, #tpu.memory_space<vmem>>)
      tpu.yield
    }) : () -> ()
    %iota3A = tpu.iota {dimensions = array<i32: 0>} : vector<16xi32>
    %add3A_5 = arith.constant 0 : i32
    %add3A_6 = vector.broadcast %add3A_5 : i32 to vector<16xi32>
    %add3A_7 = arith.addi %add3A_6, %iota3A : vector<16xi32>
    %shift_right_arithmetic3A = arith.constant 3 : i32
    %shift_right_arithmetic3A_8 = vector.broadcast %shift_right_arithmetic3A : i32 to vector<16xi32>
    %shift_right_arithmetic3A_9 = arith.shrsi %add3A_7, %shift_right_arithmetic3A_8 : vector<16xi32>
    %add3A_10 = arith.constant 16 : i32
    %add3A_11 = vector.broadcast %add3A_10 : i32 to vector<16xi32>
    %add3A_12 = arith.addi %add3A_11, %iota3A : vector<16xi32>
    %shift_right_arithmetic3A_13 = arith.constant 3 : i32
    %shift_right_arithmetic3A_14 = vector.broadcast %shift_right_arithmetic3A_13 : i32 to vector<16xi32>
    %shift_right_arithmetic3A_15 = arith.shrsi %add3A_12, %shift_right_arithmetic3A_14 : vector<16xi32>
    %add3A_16 = arith.constant 32 : i32
    %add3A_17 = vector.broadcast %add3A_16 : i32 to vector<16xi32>
    %add3A_18 = arith.addi %add3A_17, %iota3A : vector<16xi32>
    %shift_right_arithmetic3A_19 = arith.constant 3 : i32
    %shift_right_arithmetic3A_20 = vector.broadcast %shift_right_arithmetic3A_19 : i32 to vector<16xi32>
    %shift_right_arithmetic3A_21 = arith.shrsi %add3A_18, %shift_right_arithmetic3A_20 : vector<16xi32>
    %add3A_22 = arith.constant 48 : i32
    %add3A_23 = vector.broadcast %add3A_22 : i32 to vector<16xi32>
    %add3A_24 = arith.addi %add3A_23, %iota3A : vector<16xi32>
    %shift_right_arithmetic3A_25 = arith.constant 3 : i32
    %shift_right_arithmetic3A_26 = vector.broadcast %shift_right_arithmetic3A_25 : i32 to vector<16xi32>
    %shift_right_arithmetic3A_27 = arith.shrsi %add3A_24, %shift_right_arithmetic3A_26 : vector<16xi32>
    %add3A_28 = arith.constant 0 : i32
    %add3A_29 = vector.broadcast %add3A_28 : i32 to vector<16xi32>
    %add3A_30 = arith.addi %add3A_29, %iota3A : vector<16xi32>
    %and3A = arith.constant 7 : i32
    %and3A_31 = vector.broadcast %and3A : i32 to vector<16xi32>
    %and3A_32 = arith.andi %add3A_30, %and3A_31 : vector<16xi32>
    %add3A_33 = arith.constant 16 : i32
    %add3A_34 = vector.broadcast %add3A_33 : i32 to vector<16xi32>
    %add3A_35 = arith.addi %add3A_34, %iota3A : vector<16xi32>
    %and3A_36 = arith.constant 7 : i32
    %and3A_37 = vector.broadcast %and3A_36 : i32 to vector<16xi32>
    %and3A_38 = arith.andi %add3A_35, %and3A_37 : vector<16xi32>
    %add3A_39 = arith.constant 32 : i32
    %add3A_40 = vector.broadcast %add3A_39 : i32 to vector<16xi32>
    %add3A_41 = arith.addi %add3A_40, %iota3A : vector<16xi32>
    %and3A_42 = arith.constant 7 : i32
    %and3A_43 = vector.broadcast %and3A_42 : i32 to vector<16xi32>
    %and3A_44 = arith.andi %add3A_41, %and3A_43 : vector<16xi32>
    %add3A_45 = arith.constant 48 : i32
    %add3A_46 = vector.broadcast %add3A_45 : i32 to vector<16xi32>
    %add3A_47 = arith.addi %add3A_46, %iota3A : vector<16xi32>
    %and3A_48 = arith.constant 7 : i32
    %and3A_49 = vector.broadcast %and3A_48 : i32 to vector<16xi32>
    %and3A_50 = arith.andi %add3A_47, %and3A_49 : vector<16xi32>
    %dma_start3A = arith.constant 0 : i32
    %dma_start3A_51 = tpu.memref_slice %arg6[%dma_start3A] : memref<6400xi32, #tpu.memory_space<vmem>> -> memref<128xi32, #tpu.memory_space<vmem>>
    %dma_start3A_52 = arith.constant 0 : i32
    %dma_start3A_53 = arith.constant 0 : i32
    %dma_start3A_54 = tpu.memref_slice %arg3[%dma_start3A_52, %dma_start3A_53] : memref<100000x64xf32, #tpu.memory_space<hbm>> -> memref<100000x64xf32, #tpu.memory_space<hbm>>
    tpu.enqueue_indirect_dma source(%dma_start3A_54 : memref<100000x64xf32, #tpu.memory_space<hbm>>) target(%arg8 : memref<128x64xf32, #tpu.memory_space<vmem>>) offsets(%dma_start3A_51 : memref<128xi32, #tpu.memory_space<vmem>>) semaphore(%arg12 : memref<!tpu.dma_semaphore, #tpu.memory_space<semaphore_mem>>)
    %dma_start3A_55 = arith.constant 128 : i32
    %dma_start3A_56 = tpu.memref_slice %arg6[%dma_start3A_55] : memref<6400xi32, #tpu.memory_space<vmem>> -> memref<128xi32, #tpu.memory_space<vmem>>
    %dma_start3A_57 = arith.constant 0 : i32
    %dma_start3A_58 = arith.constant 0 : i32
    %dma_start3A_59 = tpu.memref_slice %arg3[%dma_start3A_57, %dma_start3A_58] : memref<100000x64xf32, #tpu.memory_space<hbm>> -> memref<100000x64xf32, #tpu.memory_space<hbm>>
    tpu.enqueue_indirect_dma source(%dma_start3A_59 : memref<100000x64xf32, #tpu.memory_space<hbm>>) target(%arg9 : memref<128x64xf32, #tpu.memory_space<vmem>>) offsets(%dma_start3A_56 : memref<128xi32, #tpu.memory_space<vmem>>) semaphore(%arg13 : memref<!tpu.dma_semaphore, #tpu.memory_space<semaphore_mem>>)
    %scan3A = arith.constant 0 : i32
    %scan3A_60 = arith.constant 0 : i32
    %scan3A_61 = arith.constant 25 : i32
    %scan3A_62 = arith.addi %scan3A_60, %scan3A_61 : i32
    %scan3A_63 = arith.constant 1 : i32
    scf.for %scan3A_149 = %scan3A_60 to %scan3A_62 step %scan3A_63  : i32 {
      %mul3A_150 = arith.constant 2 : i32
      %mul3A_151 = arith.muli %mul3A_150, %scan3A_149 : i32
      %add3A_152 = arith.constant 0 : i32
      %add3A_153 = arith.addi %mul3A_151, %add3A_152 : i32
      %add3A_154 = arith.addi %mul3A_4, %add3A_153 : i32
      %jit3A_155 = arith.constant 8 : i32
      %div3A_156 = arith.divsi %add3A_154, %jit3A_155 : i32
      %sign3A_157 = arith.constant 0 : i32
      %sign3A_158 = arith.cmpi sgt, %add3A_154, %sign3A_157 : i32
      %sign3A_159 = arith.extui %sign3A_158 : i1 to i32
      %sign3A_160 = arith.constant 0 : i32
      %sign3A_161 = arith.cmpi slt, %add3A_154, %sign3A_160 : i32
      %sign3A_162 = arith.extui %sign3A_161 : i1 to i32
      %sign3A_163 = arith.subi %sign3A_159, %sign3A_162 : i32
      %sign3A_164 = arith.constant 0 : i32
      %sign3A_165 = arith.cmpi sgt, %jit3A_155, %sign3A_164 : i32
      %sign3A_166 = arith.extui %sign3A_165 : i1 to i32
      %sign3A_167 = arith.constant 0 : i32
      %sign3A_168 = arith.cmpi slt, %jit3A_155, %sign3A_167 : i32
      %sign3A_169 = arith.extui %sign3A_168 : i1 to i32
      %sign3A_170 = arith.subi %sign3A_166, %sign3A_169 : i32
      %ne3A_171 = arith.cmpi ne, %sign3A_163, %sign3A_170 : i32
      %rem3A_172 = arith.remsi %add3A_154, %jit3A_155 : i32
      %ne3A_173 = arith.constant 0 : i32
      %ne3A_174 = arith.cmpi ne, %rem3A_172, %ne3A_173 : i32
      %and3A_175 = arith.andi %ne3A_171, %ne3A_174 : i1
      %sub3A_176 = arith.constant 1 : i32
      %sub3A_177 = arith.subi %div3A_156, %sub3A_176 : i32
      %select_n3A_178 = arith.select %and3A_175, %sub3A_177, %div3A_156 : i32
      %dma_wait3A_179 = arith.constant 0 : i32
      %dma_wait3A_180 = tpu.memref_slice %arg6[%dma_wait3A_179] : memref<6400xi32, #tpu.memory_space<vmem>> -> memref<128xi32, #tpu.memory_space<vmem>>
      %dma_wait3A_181 = arith.constant 0 : i32
      %dma_wait3A_182 = arith.constant 0 : i32
      %dma_wait3A_183 = tpu.memref_slice %arg3[%dma_wait3A_181, %dma_wait3A_182] : memref<100000x64xf32, #tpu.memory_space<hbm>> -> memref<100000x64xf32, #tpu.memory_space<hbm>>
      tpu.wait_indirect_dma semaphore(%arg12 : memref<!tpu.dma_semaphore, #tpu.memory_space<semaphore_mem>>) src(%dma_wait3A_183 : memref<100000x64xf32, #tpu.memory_space<hbm>>) dst(%arg8 : memref<128x64xf32, #tpu.memory_space<vmem>>)
      %ge3A = arith.constant 2 : i32
      %ge3A_184 = arith.cmpi sge, %add3A_153, %ge3A : i32
      %convert_element_type3A = arith.extui %ge3A_184 : i1 to i32
      %cond3A = arith.constant 0 : i32
      %cond3A_185 = arith.cmpi ne, %convert_element_type3A, %cond3A : i32
      scf.if %cond3A_185 {
        %add3A_356 = arith.addi %mul3A_4, %add3A_153 : i32
        %jit3A_357 = arith.constant 8 : i32
        %div3A_358 = arith.divsi %add3A_356, %jit3A_357 : i32
        %sign3A_359 = arith.constant 0 : i32
        %sign3A_360 = arith.cmpi sgt, %add3A_356, %sign3A_359 : i32
        %sign3A_361 = arith.extui %sign3A_360 : i1 to i32
        %sign3A_362 = arith.constant 0 : i32
        %sign3A_363 = arith.cmpi slt, %add3A_356, %sign3A_362 : i32
        %sign3A_364 = arith.extui %sign3A_363 : i1 to i32
        %sign3A_365 = arith.subi %sign3A_361, %sign3A_364 : i32
        %sign3A_366 = arith.constant 0 : i32
        %sign3A_367 = arith.cmpi sgt, %jit3A_357, %sign3A_366 : i32
        %sign3A_368 = arith.extui %sign3A_367 : i1 to i32
        %sign3A_369 = arith.constant 0 : i32
        %sign3A_370 = arith.cmpi slt, %jit3A_357, %sign3A_369 : i32
        %sign3A_371 = arith.extui %sign3A_370 : i1 to i32
        %sign3A_372 = arith.subi %sign3A_368, %sign3A_371 : i32
        %ne3A_373 = arith.cmpi ne, %sign3A_365, %sign3A_372 : i32
        %rem3A_374 = arith.remsi %add3A_356, %jit3A_357 : i32
        %ne3A_375 = arith.constant 0 : i32
        %ne3A_376 = arith.cmpi ne, %rem3A_374, %ne3A_375 : i32
        %and3A_377 = arith.andi %ne3A_373, %ne3A_376 : i1
        %sub3A_378 = arith.constant 1 : i32
        %sub3A_379 = arith.subi %div3A_358, %sub3A_378 : i32
        %select_n3A_380 = arith.select %and3A_377, %sub3A_379, %div3A_358 : i32
        %rem3A_381 = arith.constant 8 : i32
        %rem3A_382 = arith.remsi %add3A_356, %rem3A_381 : i32
        %dma_wait3A_383 = arith.constant 0 : i32
        %dma_wait3A_384 = arith.constant 0 : i32
        %dma_wait3A_385 = arith.constant 0 : i32
        %dma_wait3A_386 = tpu.memref_slice %arg10[%dma_wait3A_383, %dma_wait3A_384, %dma_wait3A_385] : memref<8x8x129xf32, #tpu.memory_space<vmem>> -> memref<8x8x128xf32, #tpu.memory_space<vmem>>
        %dma_wait3A_387 = arith.constant 0 : i32
        %dma_wait3A_388 = arith.constant 0 : i32
        %dma_wait3A_389 = arith.constant 0 : i32
        %dma_wait3A_390 = tpu.memref_slice %arg5[%select_n3A_380, %dma_wait3A_387, %rem3A_382, %dma_wait3A_388, %dma_wait3A_389] : memref<200x8x8x8x128xf32, #tpu.memory_space<hbm>> -> memref<1x8x1x8x128xf32, #tpu.memory_space<hbm>>
        %dma_wait3A_391 = tpu.memref_squeeze %dma_wait3A_390 : memref<1x8x1x8x128xf32, #tpu.memory_space<hbm>> -> memref<8x8x128xf32, #tpu.memory_space<hbm>>
        %dma_wait3A_392 = arith.constant 0 : i32
        %dma_wait3A_393 = arith.constant 0 : i32
        %dma_wait3A_394 = arith.constant 0 : i32
        %dma_wait3A_395 = tpu.memref_slice %arg5[%select_n3A_380, %dma_wait3A_392, %rem3A_382, %dma_wait3A_393, %dma_wait3A_394] : memref<200x8x8x8x128xf32, #tpu.memory_space<hbm>> -> memref<1x8x1x8x128xf32, #tpu.memory_space<hbm>>
        %dma_wait3A_396 = tpu.memref_squeeze %dma_wait3A_395 : memref<1x8x1x8x128xf32, #tpu.memory_space<hbm>> -> memref<8x8x128xf32, #tpu.memory_space<hbm>>
        %dma_wait3A_397 = arith.constant 0 : i32
        %dma_wait3A_398 = arith.constant 0 : i32
        %dma_wait3A_399 = arith.constant 0 : i32
        %dma_wait3A_400 = tpu.memref_slice %arg10[%dma_wait3A_397, %dma_wait3A_398, %dma_wait3A_399] : memref<8x8x129xf32, #tpu.memory_space<vmem>> -> memref<8x8x128xf32, #tpu.memory_space<vmem>>
        tpu.wait_dma2 semaphore(%arg14 : memref<!tpu.dma_semaphore, #tpu.memory_space<semaphore_mem>>) src(%dma_wait3A_400 : memref<8x8x128xf32, #tpu.memory_space<vmem>>) dst(%dma_wait3A_396 : memref<8x8x128xf32, #tpu.memory_space<hbm>>)
      } else {
      }
      %get3A = arith.index_cast %select_n3A_178 : i32 to index
      %get3A_186 = arith.constant 0 : index
      %get3A_187 = tpu.vector_load %arg7[%get3A, %get3A_186] {strides = array<i32>} : memref<200x64xf32, #tpu.memory_space<vmem>>, vector<16xf32>,
      %get3A_188 = arith.index_cast %select_n3A_178 : i32 to index
      %get3A_189 = arith.constant 16 : index
      %get3A_190 = tpu.vector_load %arg7[%get3A_188, %get3A_189] {strides = array<i32>} : memref<200x64xf32, #tpu.memory_space<vmem>>, vector<16xf32>,
      %get3A_191 = arith.index_cast %select_n3A_178 : i32 to index
      %get3A_192 = arith.constant 32 : index
      %get3A_193 = tpu.vector_load %arg7[%get3A_191, %get3A_192] {strides = array<i32>} : memref<200x64xf32, #tpu.memory_space<vmem>>, vector<16xf32>,
      %get3A_194 = arith.index_cast %select_n3A_178 : i32 to index
      %get3A_195 = arith.constant 48 : index
      %get3A_196 = tpu.vector_load %arg7[%get3A_194, %get3A_195] {strides = array<i32>} : memref<200x64xf32, #tpu.memory_space<vmem>>, vector<16xf32>,
      %parallel_loop3A = arith.constant 0 : i32
      %parallel_loop3A_197 = arith.constant 128 : i32
      %parallel_loop3A_198 = arith.constant 1 : i32
      scf.for %parallel_loop3A_356 = %parallel_loop3A to %parallel_loop3A_197 step %parallel_loop3A_198  : i32 {
        %parallel_loop3A_357 = vector.broadcast %parallel_loop3A_356 : i32 to vector<16xi32>
        %parallel_loop3A_358 = arith.index_cast %parallel_loop3A_356 : i32 to index
        %parallel_loop3A_359 = arith.constant 0 : index
        %parallel_loop3A_360 = tpu.vector_load %arg8[%parallel_loop3A_358, %parallel_loop3A_359] {strides = array<i32>} : memref<128x64xf32, #tpu.memory_space<vmem>>, vector<16xf32>,
        %parallel_loop3A_361 = arith.addf %parallel_loop3A_360, %get3A_187 : vector<16xf32>
        tpu.vector_store_idx %arg10[%shift_right_arithmetic3A_9, %and3A_32, %parallel_loop3A_357], %parallel_loop3A_361 : memref<8x8x129xf32, #tpu.memory_space<vmem>>[vector<16xi32>, vector<16xi32>, vector<16xi32>], vector<16xf32>,
        %parallel_loop3A_362 = arith.index_cast %parallel_loop3A_356 : i32 to index
        %parallel_loop3A_363 = arith.constant 16 : index
        %parallel_loop3A_364 = tpu.vector_load %arg8[%parallel_loop3A_362, %parallel_loop3A_363] {strides = array<i32>} : memref<128x64xf32, #tpu.memory_space<vmem>>, vector<16xf32>,
        %parallel_loop3A_365 = arith.addf %parallel_loop3A_364, %get3A_190 : vector<16xf32>
        tpu.vector_store_idx %arg10[%shift_right_arithmetic3A_15, %and3A_38, %parallel_loop3A_357], %parallel_loop3A_365 : memref<8x8x129xf32, #tpu.memory_space<vmem>>[vector<16xi32>, vector<16xi32>, vector<16xi32>], vector<16xf32>,
        %parallel_loop3A_366 = arith.index_cast %parallel_loop3A_356 : i32 to index
        %parallel_loop3A_367 = arith.constant 32 : index
        %parallel_loop3A_368 = tpu.vector_load %arg8[%parallel_loop3A_366, %parallel_loop3A_367] {strides = array<i32>} : memref<128x64xf32, #tpu.memory_space<vmem>>, vector<16xf32>,
        %parallel_loop3A_369 = arith.addf %parallel_loop3A_368, %get3A_193 : vector<16xf32>
        tpu.vector_store_idx %arg10[%shift_right_arithmetic3A_21, %and3A_44, %parallel_loop3A_357], %parallel_loop3A_369 : memref<8x8x129xf32, #tpu.memory_space<vmem>>[vector<16xi32>, vector<16xi32>, vector<16xi32>], vector<16xf32>,
        %parallel_loop3A_370 = arith.index_cast %parallel_loop3A_356 : i32 to index
        %parallel_loop3A_371 = arith.constant 48 : index
        %parallel_loop3A_372 = tpu.vector_load %arg8[%parallel_loop3A_370, %parallel_loop3A_371] {strides = array<i32>} : memref<128x64xf32, #tpu.memory_space<vmem>>, vector<16xf32>,
        %parallel_loop3A_373 = arith.addf %parallel_loop3A_372, %get3A_196 : vector<16xf32>
        tpu.vector_store_idx %arg10[%shift_right_arithmetic3A_27, %and3A_50, %parallel_loop3A_357], %parallel_loop3A_373 : memref<8x8x129xf32, #tpu.memory_space<vmem>>[vector<16xi32>, vector<16xi32>, vector<16xi32>], vector<16xf32>,
      } {sc.loop_unroll_factor = 4 : i64, sc.parallel_access}
      %add3A_199 = arith.addi %mul3A_4, %add3A_153 : i32
      %jit3A_200 = arith.constant 8 : i32
      %div3A_201 = arith.divsi %add3A_199, %jit3A_200 : i32
      %sign3A_202 = arith.constant 0 : i32
      %sign3A_203 = arith.cmpi sgt, %add3A_199, %sign3A_202 : i32
      %sign3A_204 = arith.extui %sign3A_203 : i1 to i32
      %sign3A_205 = arith.constant 0 : i32
      %sign3A_206 = arith.cmpi slt, %add3A_199, %sign3A_205 : i32
      %sign3A_207 = arith.extui %sign3A_206 : i1 to i32
      %sign3A_208 = arith.subi %sign3A_204, %sign3A_207 : i32
      %sign3A_209 = arith.constant 0 : i32
      %sign3A_210 = arith.cmpi sgt, %jit3A_200, %sign3A_209 : i32
      %sign3A_211 = arith.extui %sign3A_210 : i1 to i32
      %sign3A_212 = arith.constant 0 : i32
      %sign3A_213 = arith.cmpi slt, %jit3A_200, %sign3A_212 : i32
      %sign3A_214 = arith.extui %sign3A_213 : i1 to i32
      %sign3A_215 = arith.subi %sign3A_211, %sign3A_214 : i32
      %ne3A_216 = arith.cmpi ne, %sign3A_208, %sign3A_215 : i32
      %rem3A_217 = arith.remsi %add3A_199, %jit3A_200 : i32
      %ne3A_218 = arith.constant 0 : i32
      %ne3A_219 = arith.cmpi ne, %rem3A_217, %ne3A_218 : i32
      %and3A_220 = arith.andi %ne3A_216, %ne3A_219 : i1
      %sub3A_221 = arith.constant 1 : i32
      %sub3A_222 = arith.subi %div3A_201, %sub3A_221 : i32
      %select_n3A_223 = arith.select %and3A_220, %sub3A_222, %div3A_201 : i32
      %rem3A_224 = arith.constant 8 : i32
      %rem3A_225 = arith.remsi %add3A_199, %rem3A_224 : i32
      %dma_start3A_226 = arith.constant 0 : i32
      %dma_start3A_227 = arith.constant 0 : i32
      %dma_start3A_228 = arith.constant 0 : i32
      %dma_start3A_229 = tpu.memref_slice %arg10[%dma_start3A_226, %dma_start3A_227, %dma_start3A_228] : memref<8x8x129xf32, #tpu.memory_space<vmem>> -> memref<8x8x128xf32, #tpu.memory_space<vmem>>
      %dma_start3A_230 = arith.constant 0 : i32
      %dma_start3A_231 = arith.constant 0 : i32
      %dma_start3A_232 = arith.constant 0 : i32
      %dma_start3A_233 = tpu.memref_slice %arg5[%select_n3A_223, %dma_start3A_230, %rem3A_225, %dma_start3A_231, %dma_start3A_232] : memref<200x8x8x8x128xf32, #tpu.memory_space<hbm>> -> memref<1x8x1x8x128xf32, #tpu.memory_space<hbm>>
      %dma_start3A_234 = tpu.memref_squeeze %dma_start3A_233 : memref<1x8x1x8x128xf32, #tpu.memory_space<hbm>> -> memref<8x8x128xf32, #tpu.memory_space<hbm>>
      %dma_start3A_235 = arith.constant 0 : i32
      %dma_start3A_236 = arith.constant 0 : i32
      %dma_start3A_237 = arith.constant 0 : i32
      %dma_start3A_238 = tpu.memref_slice %arg5[%select_n3A_223, %dma_start3A_235, %rem3A_225, %dma_start3A_236, %dma_start3A_237] : memref<200x8x8x8x128xf32, #tpu.memory_space<hbm>> -> memref<1x8x1x8x128xf32, #tpu.memory_space<hbm>>
      %dma_start3A_239 = tpu.memref_squeeze %dma_start3A_238 : memref<1x8x1x8x128xf32, #tpu.memory_space<hbm>> -> memref<8x8x128xf32, #tpu.memory_space<hbm>>
      %dma_start3A_240 = arith.constant 0 : i32
      %dma_start3A_241 = arith.constant 0 : i32
      %dma_start3A_242 = arith.constant 0 : i32
      %dma_start3A_243 = tpu.memref_slice %arg10[%dma_start3A_240, %dma_start3A_241, %dma_start3A_242] : memref<8x8x129xf32, #tpu.memory_space<vmem>> -> memref<8x8x128xf32, #tpu.memory_space<vmem>>
      tpu.enqueue_dma source(%dma_start3A_243 : memref<8x8x128xf32, #tpu.memory_space<vmem>>) target(%dma_start3A_239 : memref<8x8x128xf32, #tpu.memory_space<hbm>>) target_semaphore(%arg14 : memref<!tpu.dma_semaphore, #tpu.memory_space<semaphore_mem>>)
      %add3A_244 = arith.constant 2 : i32
      %add3A_245 = arith.addi %add3A_153, %add3A_244 : i32
      %lt3A = arith.constant 50 : i32
      %lt3A_246 = arith.cmpi slt, %add3A_245, %lt3A : i32
      %convert_element_type3A_247 = arith.extui %lt3A_246 : i1 to i32
      %cond3A_248 = arith.constant 0 : i32
      %cond3A_249 = arith.cmpi ne, %convert_element_type3A_247, %cond3A_248 : i32
      scf.if %cond3A_249 {
        %add3A_356 = arith.constant 2 : i32
        %add3A_357 = arith.addi %add3A_153, %add3A_356 : i32
        %mul3A_358 = arith.constant 128 : i32
        %mul3A_359 = arith.muli %add3A_357, %mul3A_358 : i32
        %dma_start3A_360 = tpu.memref_slice %arg6[%mul3A_359] : memref<6400xi32, #tpu.memory_space<vmem>> -> memref<128xi32, #tpu.memory_space<vmem>>
        %dma_start3A_361 = arith.constant 0 : i32
        %dma_start3A_362 = arith.constant 0 : i32
        %dma_start3A_363 = tpu.memref_slice %arg3[%dma_start3A_361, %dma_start3A_362] : memref<100000x64xf32, #tpu.memory_space<hbm>> -> memref<100000x64xf32, #tpu.memory_space<hbm>>
        tpu.enqueue_indirect_dma source(%dma_start3A_363 : memref<100000x64xf32, #tpu.memory_space<hbm>>) target(%arg8 : memref<128x64xf32, #tpu.memory_space<vmem>>) offsets(%dma_start3A_360 : memref<128xi32, #tpu.memory_space<vmem>>) semaphore(%arg12 : memref<!tpu.dma_semaphore, #tpu.memory_space<semaphore_mem>>)
      } else {
      }
      %mul3A_250 = arith.constant 2 : i32
      %mul3A_251 = arith.muli %mul3A_250, %scan3A_149 : i32
      %add3A_252 = arith.constant 1 : i32
      %add3A_253 = arith.addi %mul3A_251, %add3A_252 : i32
      %add3A_254 = arith.addi %mul3A_4, %add3A_253 : i32
      %jit3A_255 = arith.constant 8 : i32
      %div3A_256 = arith.divsi %add3A_254, %jit3A_255 : i32
      %sign3A_257 = arith.constant 0 : i32
      %sign3A_258 = arith.cmpi sgt, %add3A_254, %sign3A_257 : i32
      %sign3A_259 = arith.extui %sign3A_258 : i1 to i32
      %sign3A_260 = arith.constant 0 : i32
      %sign3A_261 = arith.cmpi slt, %add3A_254, %sign3A_260 : i32
      %sign3A_262 = arith.extui %sign3A_261 : i1 to i32
      %sign3A_263 = arith.subi %sign3A_259, %sign3A_262 : i32
      %sign3A_264 = arith.constant 0 : i32
      %sign3A_265 = arith.cmpi sgt, %jit3A_255, %sign3A_264 : i32
      %sign3A_266 = arith.extui %sign3A_265 : i1 to i32
      %sign3A_267 = arith.constant 0 : i32
      %sign3A_268 = arith.cmpi slt, %jit3A_255, %sign3A_267 : i32
      %sign3A_269 = arith.extui %sign3A_268 : i1 to i32
      %sign3A_270 = arith.subi %sign3A_266, %sign3A_269 : i32
      %ne3A_271 = arith.cmpi ne, %sign3A_263, %sign3A_270 : i32
      %rem3A_272 = arith.remsi %add3A_254, %jit3A_255 : i32
      %ne3A_273 = arith.constant 0 : i32
      %ne3A_274 = arith.cmpi ne, %rem3A_272, %ne3A_273 : i32
      %and3A_275 = arith.andi %ne3A_271, %ne3A_274 : i1
      %sub3A_276 = arith.constant 1 : i32
      %sub3A_277 = arith.subi %div3A_256, %sub3A_276 : i32
      %select_n3A_278 = arith.select %and3A_275, %sub3A_277, %div3A_256 : i32
      %dma_wait3A_279 = arith.constant 0 : i32
      %dma_wait3A_280 = tpu.memref_slice %arg6[%dma_wait3A_279] : memref<6400xi32, #tpu.memory_space<vmem>> -> memref<128xi32, #tpu.memory_space<vmem>>
      %dma_wait3A_281 = arith.constant 0 : i32
      %dma_wait3A_282 = arith.constant 0 : i32
      %dma_wait3A_283 = tpu.memref_slice %arg3[%dma_wait3A_281, %dma_wait3A_282] : memref<100000x64xf32, #tpu.memory_space<hbm>> -> memref<100000x64xf32, #tpu.memory_space<hbm>>
      tpu.wait_indirect_dma semaphore(%arg13 : memref<!tpu.dma_semaphore, #tpu.memory_space<semaphore_mem>>) src(%dma_wait3A_283 : memref<100000x64xf32, #tpu.memory_space<hbm>>) dst(%arg9 : memref<128x64xf32, #tpu.memory_space<vmem>>)
      %ge3A_284 = arith.constant 2 : i32
      %ge3A_285 = arith.cmpi sge, %add3A_253, %ge3A_284 : i32
      %convert_element_type3A_286 = arith.extui %ge3A_285 : i1 to i32
      %cond3A_287 = arith.constant 0 : i32
      %cond3A_288 = arith.cmpi ne, %convert_element_type3A_286, %cond3A_287 : i32
      scf.if %cond3A_288 {
        %add3A_356 = arith.addi %mul3A_4, %add3A_253 : i32
        %jit3A_357 = arith.constant 8 : i32
        %div3A_358 = arith.divsi %add3A_356, %jit3A_357 : i32
        %sign3A_359 = arith.constant 0 : i32
        %sign3A_360 = arith.cmpi sgt, %add3A_356, %sign3A_359 : i32
        %sign3A_361 = arith.extui %sign3A_360 : i1 to i32
        %sign3A_362 = arith.constant 0 : i32
        %sign3A_363 = arith.cmpi slt, %add3A_356, %sign3A_362 : i32
        %sign3A_364 = arith.extui %sign3A_363 : i1 to i32
        %sign3A_365 = arith.subi %sign3A_361, %sign3A_364 : i32
        %sign3A_366 = arith.constant 0 : i32
        %sign3A_367 = arith.cmpi sgt, %jit3A_357, %sign3A_366 : i32
        %sign3A_368 = arith.extui %sign3A_367 : i1 to i32
        %sign3A_369 = arith.constant 0 : i32
        %sign3A_370 = arith.cmpi slt, %jit3A_357, %sign3A_369 : i32
        %sign3A_371 = arith.extui %sign3A_370 : i1 to i32
        %sign3A_372 = arith.subi %sign3A_368, %sign3A_371 : i32
        %ne3A_373 = arith.cmpi ne, %sign3A_365, %sign3A_372 : i32
        %rem3A_374 = arith.remsi %add3A_356, %jit3A_357 : i32
        %ne3A_375 = arith.constant 0 : i32
        %ne3A_376 = arith.cmpi ne, %rem3A_374, %ne3A_375 : i32
        %and3A_377 = arith.andi %ne3A_373, %ne3A_376 : i1
        %sub3A_378 = arith.constant 1 : i32
        %sub3A_379 = arith.subi %div3A_358, %sub3A_378 : i32
        %select_n3A_380 = arith.select %and3A_377, %sub3A_379, %div3A_358 : i32
        %rem3A_381 = arith.constant 8 : i32
        %rem3A_382 = arith.remsi %add3A_356, %rem3A_381 : i32
        %dma_wait3A_383 = arith.constant 0 : i32
        %dma_wait3A_384 = arith.constant 0 : i32
        %dma_wait3A_385 = arith.constant 0 : i32
        %dma_wait3A_386 = tpu.memref_slice %arg11[%dma_wait3A_383, %dma_wait3A_384, %dma_wait3A_385] : memref<8x8x129xf32, #tpu.memory_space<vmem>> -> memref<8x8x128xf32, #tpu.memory_space<vmem>>
        %dma_wait3A_387 = arith.constant 0 : i32
        %dma_wait3A_388 = arith.constant 0 : i32
        %dma_wait3A_389 = arith.constant 0 : i32
        %dma_wait3A_390 = tpu.memref_slice %arg5[%select_n3A_380, %dma_wait3A_387, %rem3A_382, %dma_wait3A_388, %dma_wait3A_389] : memref<200x8x8x8x128xf32, #tpu.memory_space<hbm>> -> memref<1x8x1x8x128xf32, #tpu.memory_space<hbm>>
        %dma_wait3A_391 = tpu.memref_squeeze %dma_wait3A_390 : memref<1x8x1x8x128xf32, #tpu.memory_space<hbm>> -> memref<8x8x128xf32, #tpu.memory_space<hbm>>
        %dma_wait3A_392 = arith.constant 0 : i32
        %dma_wait3A_393 = arith.constant 0 : i32
        %dma_wait3A_394 = arith.constant 0 : i32
        %dma_wait3A_395 = tpu.memref_slice %arg5[%select_n3A_380, %dma_wait3A_392, %rem3A_382, %dma_wait3A_393, %dma_wait3A_394] : memref<200x8x8x8x128xf32, #tpu.memory_space<hbm>> -> memref<1x8x1x8x128xf32, #tpu.memory_space<hbm>>
        %dma_wait3A_396 = tpu.memref_squeeze %dma_wait3A_395 : memref<1x8x1x8x128xf32, #tpu.memory_space<hbm>> -> memref<8x8x128xf32, #tpu.memory_space<hbm>>
        %dma_wait3A_397 = arith.constant 0 : i32
        %dma_wait3A_398 = arith.constant 0 : i32
        %dma_wait3A_399 = arith.constant 0 : i32
        %dma_wait3A_400 = tpu.memref_slice %arg11[%dma_wait3A_397, %dma_wait3A_398, %dma_wait3A_399] : memref<8x8x129xf32, #tpu.memory_space<vmem>> -> memref<8x8x128xf32, #tpu.memory_space<vmem>>
        tpu.wait_dma2 semaphore(%arg15 : memref<!tpu.dma_semaphore, #tpu.memory_space<semaphore_mem>>) src(%dma_wait3A_400 : memref<8x8x128xf32, #tpu.memory_space<vmem>>) dst(%dma_wait3A_396 : memref<8x8x128xf32, #tpu.memory_space<hbm>>)
      } else {
      }
      %get3A_289 = arith.index_cast %select_n3A_278 : i32 to index
      %get3A_290 = arith.constant 0 : index
      %get3A_291 = tpu.vector_load %arg7[%get3A_289, %get3A_290] {strides = array<i32>} : memref<200x64xf32, #tpu.memory_space<vmem>>, vector<16xf32>,
      %get3A_292 = arith.index_cast %select_n3A_278 : i32 to index
      %get3A_293 = arith.constant 16 : index
      %get3A_294 = tpu.vector_load %arg7[%get3A_292, %get3A_293] {strides = array<i32>} : memref<200x64xf32, #tpu.memory_space<vmem>>, vector<16xf32>,
      %get3A_295 = arith.index_cast %select_n3A_278 : i32 to index
      %get3A_296 = arith.constant 32 : index
      %get3A_297 = tpu.vector_load %arg7[%get3A_295, %get3A_296] {strides = array<i32>} : memref<200x64xf32, #tpu.memory_space<vmem>>, vector<16xf32>,
      %get3A_298 = arith.index_cast %select_n3A_278 : i32 to index
      %get3A_299 = arith.constant 48 : index
      %get3A_300 = tpu.vector_load %arg7[%get3A_298, %get3A_299] {strides = array<i32>} : memref<200x64xf32, #tpu.memory_space<vmem>>, vector<16xf32>,
      %parallel_loop3A_301 = arith.constant 0 : i32
      %parallel_loop3A_302 = arith.constant 128 : i32
      %parallel_loop3A_303 = arith.constant 1 : i32
      scf.for %parallel_loop3A_356 = %parallel_loop3A_301 to %parallel_loop3A_302 step %parallel_loop3A_303  : i32 {
        %parallel_loop3A_357 = vector.broadcast %parallel_loop3A_356 : i32 to vector<16xi32>
        %parallel_loop3A_358 = arith.index_cast %parallel_loop3A_356 : i32 to index
        %parallel_loop3A_359 = arith.constant 0 : index
        %parallel_loop3A_360 = tpu.vector_load %arg9[%parallel_loop3A_358, %parallel_loop3A_359] {strides = array<i32>} : memref<128x64xf32, #tpu.memory_space<vmem>>, vector<16xf32>,
        %parallel_loop3A_361 = arith.addf %parallel_loop3A_360, %get3A_291 : vector<16xf32>
        tpu.vector_store_idx %arg11[%shift_right_arithmetic3A_9, %and3A_32, %parallel_loop3A_357], %parallel_loop3A_361 : memref<8x8x129xf32, #tpu.memory_space<vmem>>[vector<16xi32>, vector<16xi32>, vector<16xi32>], vector<16xf32>,
        %parallel_loop3A_362 = arith.index_cast %parallel_loop3A_356 : i32 to index
        %parallel_loop3A_363 = arith.constant 16 : index
        %parallel_loop3A_364 = tpu.vector_load %arg9[%parallel_loop3A_362, %parallel_loop3A_363] {strides = array<i32>} : memref<128x64xf32, #tpu.memory_space<vmem>>, vector<16xf32>,
        %parallel_loop3A_365 = arith.addf %parallel_loop3A_364, %get3A_294 : vector<16xf32>
        tpu.vector_store_idx %arg11[%shift_right_arithmetic3A_15, %and3A_38, %parallel_loop3A_357], %parallel_loop3A_365 : memref<8x8x129xf32, #tpu.memory_space<vmem>>[vector<16xi32>, vector<16xi32>, vector<16xi32>], vector<16xf32>,
        %parallel_loop3A_366 = arith.index_cast %parallel_loop3A_356 : i32 to index
        %parallel_loop3A_367 = arith.constant 32 : index
        %parallel_loop3A_368 = tpu.vector_load %arg9[%parallel_loop3A_366, %parallel_loop3A_367] {strides = array<i32>} : memref<128x64xf32, #tpu.memory_space<vmem>>, vector<16xf32>,
        %parallel_loop3A_369 = arith.addf %parallel_loop3A_368, %get3A_297 : vector<16xf32>
        tpu.vector_store_idx %arg11[%shift_right_arithmetic3A_21, %and3A_44, %parallel_loop3A_357], %parallel_loop3A_369 : memref<8x8x129xf32, #tpu.memory_space<vmem>>[vector<16xi32>, vector<16xi32>, vector<16xi32>], vector<16xf32>,
        %parallel_loop3A_370 = arith.index_cast %parallel_loop3A_356 : i32 to index
        %parallel_loop3A_371 = arith.constant 48 : index
        %parallel_loop3A_372 = tpu.vector_load %arg9[%parallel_loop3A_370, %parallel_loop3A_371] {strides = array<i32>} : memref<128x64xf32, #tpu.memory_space<vmem>>, vector<16xf32>,
        %parallel_loop3A_373 = arith.addf %parallel_loop3A_372, %get3A_300 : vector<16xf32>
        tpu.vector_store_idx %arg11[%shift_right_arithmetic3A_27, %and3A_50, %parallel_loop3A_357], %parallel_loop3A_373 : memref<8x8x129xf32, #tpu.memory_space<vmem>>[vector<16xi32>, vector<16xi32>, vector<16xi32>], vector<16xf32>,
      } {sc.loop_unroll_factor = 4 : i64, sc.parallel_access}
      %add3A_304 = arith.addi %mul3A_4, %add3A_253 : i32
      %jit3A_305 = arith.constant 8 : i32
      %div3A_306 = arith.divsi %add3A_304, %jit3A_305 : i32
      %sign3A_307 = arith.constant 0 : i32
      %sign3A_308 = arith.cmpi sgt, %add3A_304, %sign3A_307 : i32
      %sign3A_309 = arith.extui %sign3A_308 : i1 to i32
      %sign3A_310 = arith.constant 0 : i32
      %sign3A_311 = arith.cmpi slt, %add3A_304, %sign3A_310 : i32
      %sign3A_312 = arith.extui %sign3A_311 : i1 to i32
      %sign3A_313 = arith.subi %sign3A_309, %sign3A_312 : i32
      %sign3A_314 = arith.constant 0 : i32
      %sign3A_315 = arith.cmpi sgt, %jit3A_305, %sign3A_314 : i32
      %sign3A_316 = arith.extui %sign3A_315 : i1 to i32
      %sign3A_317 = arith.constant 0 : i32
      %sign3A_318 = arith.cmpi slt, %jit3A_305, %sign3A_317 : i32
      %sign3A_319 = arith.extui %sign3A_318 : i1 to i32
      %sign3A_320 = arith.subi %sign3A_316, %sign3A_319 : i32
      %ne3A_321 = arith.cmpi ne, %sign3A_313, %sign3A_320 : i32
      %rem3A_322 = arith.remsi %add3A_304, %jit3A_305 : i32
      %ne3A_323 = arith.constant 0 : i32
      %ne3A_324 = arith.cmpi ne, %rem3A_322, %ne3A_323 : i32
      %and3A_325 = arith.andi %ne3A_321, %ne3A_324 : i1
      %sub3A_326 = arith.constant 1 : i32
      %sub3A_327 = arith.subi %div3A_306, %sub3A_326 : i32
      %select_n3A_328 = arith.select %and3A_325, %sub3A_327, %div3A_306 : i32
      %rem3A_329 = arith.constant 8 : i32
      %rem3A_330 = arith.remsi %add3A_304, %rem3A_329 : i32
      %dma_start3A_331 = arith.constant 0 : i32
      %dma_start3A_332 = arith.constant 0 : i32
      %dma_start3A_333 = arith.constant 0 : i32
      %dma_start3A_334 = tpu.memref_slice %arg11[%dma_start3A_331, %dma_start3A_332, %dma_start3A_333] : memref<8x8x129xf32, #tpu.memory_space<vmem>> -> memref<8x8x128xf32, #tpu.memory_space<vmem>>
      %dma_start3A_335 = arith.constant 0 : i32
      %dma_start3A_336 = arith.constant 0 : i32
      %dma_start3A_337 = arith.constant 0 : i32
      %dma_start3A_338 = tpu.memref_slice %arg5[%select_n3A_328, %dma_start3A_335, %rem3A_330, %dma_start3A_336, %dma_start3A_337] : memref<200x8x8x8x128xf32, #tpu.memory_space<hbm>> -> memref<1x8x1x8x128xf32, #tpu.memory_space<hbm>>
      %dma_start3A_339 = tpu.memref_squeeze %dma_start3A_338 : memref<1x8x1x8x128xf32, #tpu.memory_space<hbm>> -> memref<8x8x128xf32, #tpu.memory_space<hbm>>
      %dma_start3A_340 = arith.constant 0 : i32
      %dma_start3A_341 = arith.constant 0 : i32
      %dma_start3A_342 = arith.constant 0 : i32
      %dma_start3A_343 = tpu.memref_slice %arg5[%select_n3A_328, %dma_start3A_340, %rem3A_330, %dma_start3A_341, %dma_start3A_342] : memref<200x8x8x8x128xf32, #tpu.memory_space<hbm>> -> memref<1x8x1x8x128xf32, #tpu.memory_space<hbm>>
      %dma_start3A_344 = tpu.memref_squeeze %dma_start3A_343 : memref<1x8x1x8x128xf32, #tpu.memory_space<hbm>> -> memref<8x8x128xf32, #tpu.memory_space<hbm>>
      %dma_start3A_345 = arith.constant 0 : i32
      %dma_start3A_346 = arith.constant 0 : i32
      %dma_start3A_347 = arith.constant 0 : i32
      %dma_start3A_348 = tpu.memref_slice %arg11[%dma_start3A_345, %dma_start3A_346, %dma_start3A_347] : memref<8x8x129xf32, #tpu.memory_space<vmem>> -> memref<8x8x128xf32, #tpu.memory_space<vmem>>
      tpu.enqueue_dma source(%dma_start3A_348 : memref<8x8x128xf32, #tpu.memory_space<vmem>>) target(%dma_start3A_344 : memref<8x8x128xf32, #tpu.memory_space<hbm>>) target_semaphore(%arg15 : memref<!tpu.dma_semaphore, #tpu.memory_space<semaphore_mem>>)
      %add3A_349 = arith.constant 2 : i32
      %add3A_350 = arith.addi %add3A_253, %add3A_349 : i32
      %lt3A_351 = arith.constant 50 : i32
      %lt3A_352 = arith.cmpi slt, %add3A_350, %lt3A_351 : i32
      %convert_element_type3A_353 = arith.extui %lt3A_352 : i1 to i32
      %cond3A_354 = arith.constant 0 : i32
      %cond3A_355 = arith.cmpi ne, %convert_element_type3A_353, %cond3A_354 : i32
      scf.if %cond3A_355 {
        %add3A_356 = arith.constant 2 : i32
        %add3A_357 = arith.addi %add3A_253, %add3A_356 : i32
        %mul3A_358 = arith.constant 128 : i32
        %mul3A_359 = arith.muli %add3A_357, %mul3A_358 : i32
        %dma_start3A_360 = tpu.memref_slice %arg6[%mul3A_359] : memref<6400xi32, #tpu.memory_space<vmem>> -> memref<128xi32, #tpu.memory_space<vmem>>
        %dma_start3A_361 = arith.constant 0 : i32
        %dma_start3A_362 = arith.constant 0 : i32
        %dma_start3A_363 = tpu.memref_slice %arg3[%dma_start3A_361, %dma_start3A_362] : memref<100000x64xf32, #tpu.memory_space<hbm>> -> memref<100000x64xf32, #tpu.memory_space<hbm>>
        tpu.enqueue_indirect_dma source(%dma_start3A_363 : memref<100000x64xf32, #tpu.memory_space<hbm>>) target(%arg9 : memref<128x64xf32, #tpu.memory_space<vmem>>) offsets(%dma_start3A_360 : memref<128xi32, #tpu.memory_space<vmem>>) semaphore(%arg13 : memref<!tpu.dma_semaphore, #tpu.memory_space<semaphore_mem>>)
      } else {
      }
    }
    %scan3A_64 = arith.constant 25 : i32
    %add3A_65 = arith.constant 48 : i32
    %add3A_66 = arith.addi %mul3A_4, %add3A_65 : i32
    %jit3A = arith.constant 8 : i32
    %div3A = arith.divsi %add3A_66, %jit3A : i32
    %sign3A = arith.constant 0 : i32
    %sign3A_67 = arith.cmpi sgt, %add3A_66, %sign3A : i32
    %sign3A_68 = arith.extui %sign3A_67 : i1 to i32
    %sign3A_69 = arith.constant 0 : i32
    %sign3A_70 = arith.cmpi slt, %add3A_66, %sign3A_69 : i32
    %sign3A_71 = arith.extui %sign3A_70 : i1 to i32
    %sign3A_72 = arith.subi %sign3A_68, %sign3A_71 : i32
    %sign3A_73 = arith.constant 0 : i32
    %sign3A_74 = arith.cmpi sgt, %jit3A, %sign3A_73 : i32
    %sign3A_75 = arith.extui %sign3A_74 : i1 to i32
    %sign3A_76 = arith.constant 0 : i32
    %sign3A_77 = arith.cmpi slt, %jit3A, %sign3A_76 : i32
    %sign3A_78 = arith.extui %sign3A_77 : i1 to i32
    %sign3A_79 = arith.subi %sign3A_75, %sign3A_78 : i32
    %ne3A = arith.cmpi ne, %sign3A_72, %sign3A_79 : i32
    %rem3A = arith.remsi %add3A_66, %jit3A : i32
    %ne3A_80 = arith.constant 0 : i32
    %ne3A_81 = arith.cmpi ne, %rem3A, %ne3A_80 : i32
    %and3A_82 = arith.andi %ne3A, %ne3A_81 : i1
    %sub3A = arith.constant 1 : i32
    %sub3A_83 = arith.subi %div3A, %sub3A : i32
    %select_n3A = arith.select %and3A_82, %sub3A_83, %div3A : i32
    %rem3A_84 = arith.constant 8 : i32
    %rem3A_85 = arith.remsi %add3A_66, %rem3A_84 : i32
    %dma_wait3A = arith.constant 0 : i32
    %dma_wait3A_86 = arith.constant 0 : i32
    %dma_wait3A_87 = arith.constant 0 : i32
    %dma_wait3A_88 = tpu.memref_slice %arg10[%dma_wait3A, %dma_wait3A_86, %dma_wait3A_87] : memref<8x8x129xf32, #tpu.memory_space<vmem>> -> memref<8x8x128xf32, #tpu.memory_space<vmem>>
    %dma_wait3A_89 = arith.constant 0 : i32
    %dma_wait3A_90 = arith.constant 0 : i32
    %dma_wait3A_91 = arith.constant 0 : i32
    %dma_wait3A_92 = tpu.memref_slice %arg5[%select_n3A, %dma_wait3A_89, %rem3A_85, %dma_wait3A_90, %dma_wait3A_91] : memref<200x8x8x8x128xf32, #tpu.memory_space<hbm>> -> memref<1x8x1x8x128xf32, #tpu.memory_space<hbm>>
    %dma_wait3A_93 = tpu.memref_squeeze %dma_wait3A_92 : memref<1x8x1x8x128xf32, #tpu.memory_space<hbm>> -> memref<8x8x128xf32, #tpu.memory_space<hbm>>
    %dma_wait3A_94 = arith.constant 0 : i32
    %dma_wait3A_95 = arith.constant 0 : i32
    %dma_wait3A_96 = arith.constant 0 : i32
    %dma_wait3A_97 = tpu.memref_slice %arg5[%select_n3A, %dma_wait3A_94, %rem3A_85, %dma_wait3A_95, %dma_wait3A_96] : memref<200x8x8x8x128xf32, #tpu.memory_space<hbm>> -> memref<1x8x1x8x128xf32, #tpu.memory_space<hbm>>
    %dma_wait3A_98 = tpu.memref_squeeze %dma_wait3A_97 : memref<1x8x1x8x128xf32, #tpu.memory_space<hbm>> -> memref<8x8x128xf32, #tpu.memory_space<hbm>>
    %dma_wait3A_99 = arith.constant 0 : i32
    %dma_wait3A_100 = arith.constant 0 : i32
    %dma_wait3A_101 = arith.constant 0 : i32
    %dma_wait3A_102 = tpu.memref_slice %arg10[%dma_wait3A_99, %dma_wait3A_100, %dma_wait3A_101] : memref<8x8x129xf32, #tpu.memory_space<vmem>> -> memref<8x8x128xf32, #tpu.memory_space<vmem>>
    tpu.wait_dma2 semaphore(%arg14 : memref<!tpu.dma_semaphore, #tpu.memory_space<semaphore_mem>>) src(%dma_wait3A_102 : memref<8x8x128xf32, #tpu.memory_space<vmem>>) dst(%dma_wait3A_98 : memref<8x8x128xf32, #tpu.memory_space<hbm>>)
    %add3A_103 = arith.constant 49 : i32
    %add3A_104 = arith.addi %mul3A_4, %add3A_103 : i32
    %jit3A_105 = arith.constant 8 : i32
    %div3A_106 = arith.divsi %add3A_104, %jit3A_105 : i32
    %sign3A_107 = arith.constant 0 : i32
    %sign3A_108 = arith.cmpi sgt, %add3A_104, %sign3A_107 : i32
    %sign3A_109 = arith.extui %sign3A_108 : i1 to i32
    %sign3A_110 = arith.constant 0 : i32
    %sign3A_111 = arith.cmpi slt, %add3A_104, %sign3A_110 : i32
    %sign3A_112 = arith.extui %sign3A_111 : i1 to i32
    %sign3A_113 = arith.subi %sign3A_109, %sign3A_112 : i32
    %sign3A_114 = arith.constant 0 : i32
    %sign3A_115 = arith.cmpi sgt, %jit3A_105, %sign3A_114 : i32
    %sign3A_116 = arith.extui %sign3A_115 : i1 to i32
    %sign3A_117 = arith.constant 0 : i32
    %sign3A_118 = arith.cmpi slt, %jit3A_105, %sign3A_117 : i32
    %sign3A_119 = arith.extui %sign3A_118 : i1 to i32
    %sign3A_120 = arith.subi %sign3A_116, %sign3A_119 : i32
    %ne3A_121 = arith.cmpi ne, %sign3A_113, %sign3A_120 : i32
    %rem3A_122 = arith.remsi %add3A_104, %jit3A_105 : i32
    %ne3A_123 = arith.constant 0 : i32
    %ne3A_124 = arith.cmpi ne, %rem3A_122, %ne3A_123 : i32
    %and3A_125 = arith.andi %ne3A_121, %ne3A_124 : i1
    %sub3A_126 = arith.constant 1 : i32
    %sub3A_127 = arith.subi %div3A_106, %sub3A_126 : i32
    %select_n3A_128 = arith.select %and3A_125, %sub3A_127, %div3A_106 : i32
    %rem3A_129 = arith.constant 8 : i32
    %rem3A_130 = arith.remsi %add3A_104, %rem3A_129 : i32
    %dma_wait3A_131 = arith.constant 0 : i32
    %dma_wait3A_132 = arith.constant 0 : i32
    %dma_wait3A_133 = arith.constant 0 : i32
    %dma_wait3A_134 = tpu.memref_slice %arg11[%dma_wait3A_131, %dma_wait3A_132, %dma_wait3A_133] : memref<8x8x129xf32, #tpu.memory_space<vmem>> -> memref<8x8x128xf32, #tpu.memory_space<vmem>>
    %dma_wait3A_135 = arith.constant 0 : i32
    %dma_wait3A_136 = arith.constant 0 : i32
    %dma_wait3A_137 = arith.constant 0 : i32
    %dma_wait3A_138 = tpu.memref_slice %arg5[%select_n3A_128, %dma_wait3A_135, %rem3A_130, %dma_wait3A_136, %dma_wait3A_137] : memref<200x8x8x8x128xf32, #tpu.memory_space<hbm>> -> memref<1x8x1x8x128xf32, #tpu.memory_space<hbm>>
    %dma_wait3A_139 = tpu.memref_squeeze %dma_wait3A_138 : memref<1x8x1x8x128xf32, #tpu.memory_space<hbm>> -> memref<8x8x128xf32, #tpu.memory_space<hbm>>
    %dma_wait3A_140 = arith.constant 0 : i32
    %dma_wait3A_141 = arith.constant 0 : i32
    %dma_wait3A_142 = arith.constant 0 : i32
    %dma_wait3A_143 = tpu.memref_slice %arg5[%select_n3A_128, %dma_wait3A_140, %rem3A_130, %dma_wait3A_141, %dma_wait3A_142] : memref<200x8x8x8x128xf32, #tpu.memory_space<hbm>> -> memref<1x8x1x8x128xf32, #tpu.memory_space<hbm>>
    %dma_wait3A_144 = tpu.memref_squeeze %dma_wait3A_143 : memref<1x8x1x8x128xf32, #tpu.memory_space<hbm>> -> memref<8x8x128xf32, #tpu.memory_space<hbm>>
    %dma_wait3A_145 = arith.constant 0 : i32
    %dma_wait3A_146 = arith.constant 0 : i32
    %dma_wait3A_147 = arith.constant 0 : i32
    %dma_wait3A_148 = tpu.memref_slice %arg11[%dma_wait3A_145, %dma_wait3A_146, %dma_wait3A_147] : memref<8x8x129xf32, #tpu.memory_space<vmem>> -> memref<8x8x128xf32, #tpu.memory_space<vmem>>
    tpu.wait_dma2 semaphore(%arg15 : memref<!tpu.dma_semaphore, #tpu.memory_space<semaphore_mem>>) src(%dma_wait3A_148 : memref<8x8x128xf32, #tpu.memory_space<vmem>>) dst(%dma_wait3A_144 : memref<8x8x128xf32, #tpu.memory_space<hbm>>)
    return
  }
}

</mosaic_0001>

<sc_bundles>
// kernel: kernel.3.cloned.1.call-start
scs
__scs_entry_jumppad:
0x0: {  	(pc) =	sbr.rel $0x88, $3  }
0x1: {  	(tag) =	ssettag $0x0;
	lr =	simm.s32 $0x1  }
0x2: {  	[smem:$0x3F9F] =	sst lr;
	_ =	strace $0xD0000000  }
0x3: {  	_ = 	snop  }
0x4: {  	_ = 	snop  }
0x5: {  	_ = 	snop  }
0x6: {  	_ = 	snop  }
0x7: {  	_ = 	snop  }
__scs_overlays_trampoline_lowered:
0x8: {  	[smem:$0x3FAE] =	sst s0  }
0x9: {  	[smem:$0x3FAF] =	sst s1  }
0xa: {  	[smem:$0x3FB0] =	sst s2  }
0xb: {  	[smem:$0x3FB1] =	sst s3  }
0xc: {  	[smem:$0x3FB2] =	sst s4  }
0xd: {  	[smem:$0x3FB3] =	sst s5  }
0xe: {  	[smem:$0x3FB4] =	sst s6  }
0xf: {  	[smem:$0x3FB5] =	sst s7  }
0x10: {  	[smem:$0x3FB6] =	sst s8  }
0x11: {  	[smem:$0x3FB7] =	sst s9;
	s0 =	simm.s32 @!p0 $0x0  }
0x12: {  	s1 =	sld [smem:$0x3F9D];
	s0 =	simm.s32 @p0 $0x1  }
0x13: {  	[smem:$0x3FB8] =	sst s0;
	s0 =	simm.s32 @!p1 $0x0  }
0x14: {  	s2 =	sld [smem:$0x3F9C];
	s0 =	simm.s32 @p1 $0x1  }
0x15: {  	[smem:$0x3FB9] =	sst s0;
	s0 =	simm.s32 @!p2 $0x0  }
0x16: {  	s3 =	sld [smem:$0x3FDB];
	s0 =	simm.s32 @p2 $0x1  }
0x17: {  	s4 =	simm.s32 $0x1BF5;
	[smem:$0x3FBB] =	sst s0  }
0x18: {  	s0 =	sld [smem:$0x3F9E];
	_ =	swait.ge [sflag:s4], $0x0  }
0x19: {  	s7 =	sld [smem:$0x3F9F]  }
0x1a: {  	s8 =	sadd.s32 $0xFFFFE003, lr  }
0x1b: {  	s9 =	sadd.s32 $0xFFFFFEF7, lr;
	s5 =	simm.s32 $0xFFFFFFFF;
	p2 =	slt.u32 s8, $0xFFFFF086  }
0x1c: {  	p1 =	slt.u32 s9, $0xF7A;
	s5 =	simm.s32 @!p2 $0x0  }
0x1d: {  	s5 =	simm.s32 @p1 $0x1;
	p0 =	seq.s32 s7, s2  }
0x1e: {  	s7 =	smul.u32 @!p0 $0xF7A, s2;
	p2 =	seq.s32 @!p0 s5, $0x0  }
0x1f: {  	s9 =	smul.u32 $0xF7A, s1;
	s8 =	simm.s32 @!p0 $0x1BF5;
	p2 =	por !p2, p0  }
0x20: {  	[sflag:s8] =	ssyncset.s32 @!p0 $0xFFFFF086;
	s6 =	sadd.s32 @!p0 s3, s7;
	s7 =	simm.s32 @!p0 $0x108  }
0x21: {  	s3 =	sadd.s32 s3, s9;
	s6 =	sadd.s32 @!p0 $0x88, s6;
	s7 =	simm.s32 @p2 $0x1082  }
0x22: {  	[simem:s7], [sflag:s8] =	dma.local @!p0 [hbm:s6], $0xF7A  }
0x23: {  	s9 =	sor.u32 $0xD0000000, s2;
	s6 =	simm.s32 $0x108;
	_ =	swait.ge @!p0 [sflag:s8], $0x0  }
0x24: {  	s3 =	sadd.s32 $0x88, s3;
	s6 =	simm.s32 @!p1 $0x1082;
	[sflag:s4] =	ssyncset.s32 $0xFFFFF086  }
0x25: {  	[simem:s6], [sflag:s4] =	dma.local [hbm:s3], $0xF7A  }
0x26: {  	[smem:$0x3F9F] =	sst s1;
	(tag) =	ssettag s2;
	_ =	strace s9  }
0x27: {  	s1 =	sld [smem:$0x3FAF]  }
0x28: {  	s2 =	sld [smem:$0x3FB0]  }
0x29: {  	s4 =	sld [smem:$0x3FB2]  }
0x2a: {  	p0 =	seq.s32 s5, $0x0;
	s5 =	sld [smem:$0x3FB3]  }
0x2b: {  	s6 =	sld [smem:$0x3FB4]  }
0x2c: {  	s7 =	sld [smem:$0x3FB5]  }
0x2d: {  	s3 =	simm.s32 $0x108;
	s8 =	sld [smem:$0x3FB6]  }
0x2e: {  	s3 =	simm.s32 @!p0 $0x1082;
	s9 =	sld [smem:$0x3FB7]  }
0x2f: {  	lr =	sadd.s32 s0, s3;
	s0 =	sld [smem:$0x3FAE]  }
0x30: {  	s3 =	sld [smem:$0x3FB1]  }
0x31: {  	[smem:$0x3FBA] =	sst s10  }
0x32: {  	s10 =	sld [smem:$0x3FB8];
	_ =	sdelay $0x3  }
0x33: {  	p0 =	seq.s32 s10, $0x1;
	s10 =	sld [smem:$0x3FBA];
	_ =	sdelay $0x3  }
0x34: {  	[smem:$0x3FBA] =	sst s10  }
0x35: {  	s10 =	sld [smem:$0x3FB9];
	_ =	sdelay $0x3  }
0x36: {  	p1 =	seq.s32 s10, $0x1;
	s10 =	sld [smem:$0x3FBA];
	_ =	sdelay $0x3  }
0x37: {  	[smem:$0x3FBA] =	sst s10  }
0x38: {  	s10 =	sld [smem:$0x3FBB]  }
0x39: {  	_ = 	snop;
	(pc) =	sbr.ind lr, $3  }
0x3a: {  	_ = 	snop  }
0x3b: {  	_ = 	snop  }
0x3c: {  	p2 =	seq.s32 s10, $0x1;
	s10 =	sld [smem:$0x3FBA]  }
0x3d: {  	_ =	shalt  }
0x3e: {  	_ =	shalt  }
0x3f: {  	_ =	shalt  }
0x40: {  	_ =	shalt  }
0x41: {  	_ =	shalt  }
0x42: {  	_ =	shalt  }
0x43: {  	_ =	shalt  }
0x44: {  	_ =	shalt  }
0x45: {  	_ =	shalt  }
0x46: {  	_ =	shalt  }
0x47: {  	_ =	shalt  }
0x48: {  	_ =	shalt  }
0x49: {  	_ =	shalt  }
0x4a: {  	_ =	shalt  }
0x4b: {  	_ =	shalt  }
0x4c: {  	_ =	shalt  }
0x4d: {  	_ =	shalt  }
0x4e: {  	_ =	shalt  }
0x4f: {  	_ =	shalt  }
0x50: {  	_ =	shalt  }
0x51: {  	_ =	shalt  }
0x52: {  	_ =	shalt  }
0x53: {  	_ =	shalt  }
0x54: {  	_ =	shalt  }
0x55: {  	_ =	shalt  }
0x56: {  	_ =	shalt  }
0x57: {  	_ =	shalt  }
0x58: {  	_ =	shalt  }
0x59: {  	_ =	shalt  }
0x5a: {  	_ =	shalt  }
0x5b: {  	_ =	shalt  }
0x5c: {  	_ =	shalt  }
0x5d: {  	_ =	shalt  }
0x5e: {  	_ =	shalt  }
0x5f: {  	_ =	shalt  }
0x60: {  	_ =	shalt  }
0x61: {  	_ =	shalt  }
0x62: {  	_ =	shalt  }
0x63: {  	_ =	shalt  }
0x64: {  	_ =	shalt  }
0x65: {  	_ =	shalt  }
0x66: {  	_ =	shalt  }
0x67: {  	_ =	shalt  }
0x68: {  	_ =	shalt  }
0x69: {  	_ =	shalt  }
0x6a: {  	_ =	shalt  }
0x6b: {  	_ =	shalt  }
0x6c: {  	_ =	shalt  }
0x6d: {  	_ =	shalt  }
0x6e: {  	_ =	shalt  }
0x6f: {  	_ =	shalt  }
0x70: {  	_ =	shalt  }
0x71: {  	_ =	shalt  }
0x72: {  	_ =	shalt  }
0x73: {  	_ =	shalt  }
0x74: {  	_ =	shalt  }
0x75: {  	_ =	shalt  }
0x76: {  	_ =	shalt  }
0x77: {  	_ =	shalt  }
0x78: {  	_ =	shalt  }
0x79: {  	_ =	shalt  }
0x7a: {  	_ =	shalt  }
0x7b: {  	_ =	shalt  }
0x7c: {  	_ =	shalt  }
0x7d: {  	_ =	shalt  }
0x7e: {  	_ =	shalt  }
0x7f: {  	_ =	shalt  }
0x80: {  	_ =	shalt  }
0x81: {  	_ =	shalt  }
0x82: {  	_ =	shalt  }
0x83: {  	_ =	shalt  }
0x84: {  	_ =	shalt  }
0x85: {  	_ =	shalt  }
0x86: {  	_ =	shalt  }
0x87: {  	_ =	shalt  }
.Lfunc_end0:
.L_simem_size_0:
called_computation_lowered:
.L_overlay_start_0:
0x88: {  	s2 =	sld [smem:$0x3FD9]  }
0x89: {  	s3 =	sld [smem:$0x3FFE];
	_ =	sdelay $0x1  }
0x8a: {  	s1 =	srdreg.scid  }
0x8b: {  	s0 =	sand.u32 $0x1, s1  }
0x8c: {  	s17 =	sshll.u32 s0, $0xA;
	s2 =	sadd.s32 s3, s2  }
0x8d: {  	s2 =	sadd.s32 s2, s17  }
0x8e: {  	[smem:$0x3FC6] =	sst s2  }
0x8f: {  	_ = 	snop  }
0x90: {  	s2 =	sld [smem:$0x3FD0];
	(tm) =	ssettm $0x1  }
0x91: {  	s18 =	sld [smem:$0x3FFB];
	_ =	sdelay $0x3  }
0x92: {  	_ =	strace s18  }
0x93: {  	s3 =	sld [smem:$0x3FFC];
	_ =	sdelay $0x3  }
0x94: {  	_ =	strace s3  }
0x95: {  	s3 =	sld [smem:$0x3FFD];
	_ =	sdelay $0x3  }
0x96: {  	_ =	strace s3  }
0x97: {  	_ =	strace $0x8FFFFFFF  }
0x98: {  	s19 =	sld [smem:$0x3FDB];
	_ =	sdelay $0x1  }
0x99: {  	s4 =	simm.s32 $_scs_section_size  }
0x9a: {  	s5 =	simm.s32 $_size__tile_overlayer_lowered;
	s6 =	simm.s32 $_tile_overlayer_lowered  }
0x9b: {  	s22 =	simm.s32 $0x1BFF;
	s21 =	sshll.u32 s6, $0x1;
	s3 =	sadd.s32 s4, s19  }
0x9c: {  	s7 =	simm.s32 $0x0;
	s20 =	sshll.u32 s5, $0x1;
	s5 =	sadd.s32 s21, s3  }
0x9d: {  	[timem:s7], [sflag:s22] =	dma.local [hbm:s5], s20  }
0x9e: {  	_ =	swait.ge [sflag:s22], s20  }
0x9f: {  	s4 =	ssub.s32 $0x0, s20;
	[sflag:s22] =	ssyncset.done $0x0  }
0xa0: {  	[sflag:s22] =	ssyncadd.s32 s4;
	_ =	sdelay $0x1  }
0xa1: {  	s23 =	simm.s32 $0x1B8B  }
0xa2: {  	_ =	swait.ge [sflag:s23], $0x1  }
0xa3: {  	[sflag:s23] =	ssyncset.done $0x0  }
0xa4: {  	s25 =	simm.s32 $0x1B8E;
	s24 =	sld [smem:$0x3FFE];
	[sflag:s23] =	ssyncadd.s32 $0xFFFFFFFF  }
0xa5: {  	s26 =	simm.s32 $execute0_lowered;
	[smem:$0x3FD2] =	sst s25  }
0xa6: {  	s5 =	sshll.u32 s26, $0x1;
	_ =	strace $0x80000046;
	[dreg:$0x1] =	wrdreg $0xFFFFFFFF  }
0xa7: {  	s28 =	simm.s32 $_size_execute0_lowered;
	s3 =	sadd.s32 s3, s5;
	[dreg:$0x0] =	wrdreg $0x0  }
0xa8: {  	s5 =	sshll.u32 s28, $0x1;
	[dreg:$0x2] =	wrdreg s3  }
0xa9: {  	[dreg:$0x3] =	wrdreg s5  }
0xaa: {  	[dreg:$0x4] =	wrdreg $0xC0  }
0xab: {  	_ =	task [dreg:s7], $0x5FFFF  }
0xac: {  	[dreg:$0x1] =	wrdreg $0xFFFFFFFF  }
0xad: {  	[dreg:$0x0] =	wrdreg $0x60  }
0xae: {  	[dreg:$0x2] =	wrdreg s24  }
0xaf: {  	[dreg:$0x3] =	wrdreg s2  }
0xb0: {  	[dreg:$0x4] =	wrdreg $0x9  }
0xb1: {  	_ =	task.clear_ibuf [dreg:s7], $0x5FFFF;
	_ =	strace $0x90000046  }
0xb2: {  	s29 =	simm.s32 $0x9;
	_ =	strace $0x80000048  }
0xb3: {  	_ =	swait.ge [sflag:s29], $0x1  }
0xb4: {  	[sflag:s29] =	ssyncadd.s32 $0xFFFFFFFF  }
0xb5: {  	_ =	strace $0x90000048  }
0xb6: {  	_ =	sfence  }
0xb7: {  	s30 =	sld [smem:$0x0];
	_ =	sdelay $0x2  }
0xb8: {  	s31 =	sshll.u32 s1, $0xD;
	s1 =	sshrl.u32 s1, $0x2  }
0xb9: {  	s3 =	sand.u32 $0x4000, s31;
	s1 =	sadd.s32 s1, s30  }
0xba: {  	s0 =	sor.u32 s3, s0;
	s1 =	sshll.u32 s1, $0x11  }
0xbb: {  	s0 =	sor.u32 s1, s0  }
0xbc: {  	s0 =	sadd.s32 $0x8F2B, s0  }
0xbd: {  	[sflag:s0] =	ssyncadd.remote.s32 $0x1  }
0xbe: {  	_ =	sfence.sel $0xFFFF  }
0xbf: {  	[dreg:$0x0] =	wrdreg $0xFFFFFFFF;
	(pc) =	sbr.abs _section_cstart, $3  }
0xc0: {  	[dreg:$0x1] =	wrdreg $0xFFFFFFFF  }
0xc1: {  	_ =	task.clear_ibuf [dreg:s7], $0x2FFFF;
	_ =	strace $0x9FFFFFFF  }
0xc2: {  	(tm) =	ssettm $0x7FFFFFFF  }
0xc3: {  	_ =	shalt  }
tec
execute0_lowered:
.L_overlay_start_1:
0x0: {  	(tag) =	ssettag $0x1  }
0x1: {  	s1 =	srdreg.scid;
	s5 =	rddreg [dreg:$0x0]  }
0x2: {  	s0 =	stileid.u32;
	s2 =	rddreg [dreg:$0x1]  }
0x3: {  	s3 =	simm.s32 $0x0;
	s10 =	simm.s32 $0x1900;
	s11 =	simm.s32 $0x80  }
0x4: {  	s12 =	simm.s32 $0x4B00;
	s13 =	simm.s32 $0x6B00;
	s14 =	simm.s32 $0x1  }
0x5: {  	s15 =	simm.s32 $0x8B00;
	s16 =	simm.s32 $0x2;
	s17 =	simm.s32 $0xAD00  }
0x6: {  	s18 =	simm.s32 $0x3;
	s19 =	simm.s32 $0x4;
	s20 =	simm.s32 $0x0  }
0x7: {  	s4 =	sand.u32 $0x1, s1;
	s31 =	sshll.u32 s0, $0x1;
	s1 =	rddreg [dreg:$0x2]  }
.Ltmp0:
0x8: {  	[smem:$0x7FF] =	sst s3;
	s6 =	sor.u32 s4, s31;
	(pc) =	sbr.rel .LBB2_1-.Ltmp0, $4  }
0x9: {  	v0 =	vlaneseq.u32;
	s8 =	ssub.s32 $0x2, s4;
	_ =	strace $0x80000047;
	s7 =	smul.u32 $0x320, s6  }
0xa: {  	v0 =	vmul.u32 $0x88, v0;
	s4 =	sadd.s32 $0x7000, s5;
	s9 =	sshrl.u32 s8, $0x1;
	s6 =	smul.u32 $0x32, s6  }
0xb: {  	s8 =	ssub.s32 s8, s9;
	s9 =	simm.s32 $0x5;
	s7 =	sadd.s32 s7, s5  }
0xc: {  	v1 =	vadd.s32 $0x880, v0;
	v2 =	vadd.s32 $0x1100, v0;
	v3 =	vadd.s32 $0x1980, v0;
	s5 =	sadd.s32 $0x400, s5;
	s8 =	smax.u32 s8, $0x1;
	s7 =	sadd.s32 $0xC00, s7  }
.LBB2_12:
0xd: {  	s20 =	sadd.s32 $0x1, s20  }
0xe: {  	_ =	swait.ge [sflag:s18], $0x2000;
	p0 =	sne.s32 s20, s8  }
.Ltmp1:
0xf: {  	[sflag:s18] =	ssyncset.done $0x0;
	(pc) =	sbr.rel @!p0 .LBB2_13-.Ltmp1, $4  }
0x10: {  	[sflag:s18] =	ssyncadd.s32 $0xFFFFE000  }
0x11: {  	_ =	swait.ge [sflag:s19], $0x2000  }
0x12: {  	[sflag:s19] =	ssyncset.done $0x0  }
0x13: {  	[sflag:s19] =	ssyncadd.s32 $0xFFFFE000  }
.LBB2_1:
0x14: {  	[tilespmem:s3], [sflag:$0x5] =	stream.linear.gather [hbm4b:s7+s3], $0x1900, $0x38;
	[tilespmem:$0xCF00] =	vst v63  }
0x15: {  	_ =	swait.ge [sflag:s9], $0x1900  }
0x16: {  	[sflag:s9] =	ssyncset.done $0x0  }
0x17: {  	[sflag:s9] =	ssyncadd.s32 $0xFFFFE700  }
0x18: {  	[tilespmem:s10], [sflag:$0x5] =	stream.linear.gather [hbm4b:s5+s3], $0x3200, $0x38;
	[tilespmem:$0xCF00] =	vst v63  }
0x19: {  	_ =	swait.ge [sflag:s9], $0x3200  }
0x1a: {  	[sflag:s9] =	ssyncset.done $0x0  }
0x1b: {  	[sflag:s9] =	ssyncadd.s32 $0xFFFFCE00  }
0x1c: {  	[tilespmem:s12], [sflag:$0x1] =	stream.indirect.gather [hbm4b:s4+s11], $0x40, s3, s11, $0xb8;
	[tilespmem:$0xCF00] =	vst v63  }
0x1d: {  	s21 =	simm.s32 $0x0  }
0x1e: {  	[tilespmem:s13], [sflag:$0x2] =	stream.indirect.gather [hbm4b:s4+s11], $0x40, s11, s11, $0xb8;
	[tilespmem:$0xCF00] =	vst v63  }
.LBB2_2:
0x1f: {  	_ =	swait.ge [sflag:s14], $0x2000  }
0x20: {  	s22 =	sshll.u32 s21, $0x1;
	p0 =	seq.s32 s21, $0x0;
	[sflag:s14] =	ssyncset.done $0x0  }
0x21: {  	s24 =	sadd.s32 s6, s22;
	s25 =	simm.s32 @!p0 $0x3;
	[sflag:s14] =	ssyncadd.s32 $0xFFFFE000  }
0x22: {  	s23 =	sshrl.u32 s24, $0x3;
	_ =	swait.ge @!p0 [sflag:s25], $0x2000  }
0x23: {  	s26 =	sshll.u32 s23, $0x6;
	[sflag:s25] =	ssyncset.done @!p0 $0x0  }
0x24: {  	[sflag:s25] =	ssyncadd.s32 @!p0 $0xFFFFE000;
	s25 =	sand.u32 $0x3FFFFFC0, s26  }
0x25: {  	s29 =	simm.s32 $0x4B80;
	s30 =	simm.s32 $0x3;
	v9 =	vld [tilespmem:s25+$0x1900]  }
0x26: {  	v4 =	vmov s30;
	v7 =	vld [tilespmem:s29+$0x40]  }
0x27: {  	v13 =	vand.u32 $0x7F, v4  }
0x28: {  	s31 =	simm.s32 $0x0;
	v8 =	vadd.s32 v0, v13;
	v6 =	vld [tilespmem:s25+$0x1910]  }
0x29: {  	s28 =	simm.s32 $0x2;
	s30 =	simm.s32 $0x1;
	v4 =	vmov s31;
	v10 =	vld [tilespmem:s29+$0xFFFFFF80]  }
0x2a: {  	v14 =	vmov s28;
	v12 =	vand.u32 $0x7C, v4;
	v4 =	vmov s30;
	v11 =	vld [tilespmem:s29+$0xFFFFFFC0]  }
0x2b: {  	v15 =	vadd.s32 v0, v12;
	v19 =	vand.u32 $0x7D, v4;
	v16 =	vld [tilespmem:s29+$0x0];
	v7 =	vadd.f32 v7, v9  }
0x2c: {  	v20 =	vand.u32 $0x7E, v14;
	v17 =	vadd.s32 v0, v19;
	v5 =	vld [tilespmem:s25+$0x1920]  }
0x2d: {  	v14 =	vadd.s32 v0, v20;
	v4 =	vld [tilespmem:s25+$0x1930];
	[tilespmem:v8+s15+$0x0] =	vst.idx.msk $0xffff, v7  }
0x2e: {  	v7 =	vadd.f32 v10, v9;
	v8 =	vld [tilespmem:s29+$0x50]  }
0x2f: {  	v10 =	vadd.f32 v11, v9  }
0x30: {  	v11 =	vadd.s32 v1, v13;
	[tilespmem:v15+s15+$0x0] =	vst.idx.msk $0xffff, v7;
	v7 =	vadd.f32 v16, v9  }
0x31: {  	[tilespmem:v17+s15+$0x0] =	vst.idx.msk $0xffff, v10;
	v15 =	vld [tilespmem:s29+$0xFFFFFF90]  }
0x32: {  	v10 =	vld [tilespmem:s29+$0xFFFFFFD0];
	[tilespmem:v14+s15+$0x0] =	vst.idx.msk $0xffff, v7  }
0x33: {  	v14 =	vld [tilespmem:s29+$0x10];
	v7 =	vadd.f32 v8, v6  }
0x34: {  	s28 =	simm.s32 $0x7;
	s25 =	simm.s32 $0x4C80;
	v16 =	vadd.s32 v1, v19  }
0x35: {  	s31 =	simm.s32 $0x4;
	v26 =	vadd.s32 v2, v13;
	v18 =	vld [tilespmem:s25+$0x40];
	v17 =	vadd.s32 v1, v20;
	[tilespmem:v11+s15+$0x0] =	vst.idx.msk $0xffff, v7;
	v7 =	vmov s28  }
0x36: {  	v21 =	vadd.s32 v1, v12;
	v8 =	vmov s31;
	v7 =	vand.u32 $0x7F, v7;
	v22 =	vld [tilespmem:s29+$0x60]  }
0x37: {  	s30 =	simm.s32 $0x5;
	v23 =	vld [tilespmem:s25+$0xFFFFFF80];
	v8 =	vand.u32 $0x7C, v8;
	v10 =	vadd.f32 v10, v6;
	v24 =	vadd.s32 v0, v7  }
0x38: {  	v25 =	vld [tilespmem:s25+$0xFFFFFFC0];
	s31 =	simm.s32 $0x6;
	v15 =	vadd.f32 v15, v6;
	v11 =	vadd.f32 v14, v6;
	v14 =	vmov s30  }
0x39: {  	v27 =	vadd.s32 v0, v8;
	[tilespmem:v16+s15+$0x0] =	vst.idx.msk $0xffff, v10;
	v16 =	vmov s31;
	v10 =	vand.u32 $0x7D, v14;
	v14 =	vld [tilespmem:s25+$0x0]  }
0x3a: {  	[tilespmem:v17+s15+$0x0] =	vst.idx.msk $0xffff, v11;
	v17 =	vadd.s32 v0, v10;
	v11 =	vand.u32 $0x7E, v16;
	v16 =	vadd.f32 v18, v9;
	v18 =	vld [tilespmem:s29+$0xFFFFFFE0]  }
0x3b: {  	[tilespmem:v21+s15+$0x0] =	vst.idx.msk $0xffff, v15;
	v15 =	vadd.s32 v0, v11;
	v21 =	vld [tilespmem:s29+$0x20];
	v22 =	vadd.f32 v22, v5  }
0x3c: {  	v23 =	vadd.f32 v23, v9;
	[tilespmem:v24+s15+$0x0] =	vst.idx.msk $0xffff, v16;
	v16 =	vld [tilespmem:s29+$0xFFFFFFA0];
	v24 =	vadd.s32 v2, v19  }
0x3d: {  	v29 =	vadd.s32 v2, v20;
	v25 =	vadd.f32 v25, v9;
	v28 =	vld [tilespmem:s25+$0x50];
	[tilespmem:v26+s15+$0x0] =	vst.idx.msk $0xffff, v22  }
0x3e: {  	[tilespmem:v27+s15+$0x0] =	vst.idx.msk $0xffff, v23;
	v23 =	vadd.s32 v2, v12;
	v14 =	vadd.f32 v14, v9;
	v26 =	vld [tilespmem:s29+$0x70]  }
0x3f: {  	v27 =	vld [tilespmem:s25+$0xFFFFFF90];
	[tilespmem:v17+s15+$0x0] =	vst.idx.msk $0xffff, v25;
	v25 =	vadd.s32 v1, v7;
	v18 =	vadd.f32 v18, v5  }
0x40: {  	v31 =	vadd.s32 v3, v13;
	v30 =	vld [tilespmem:s25+$0xFFFFFFD0];
	[tilespmem:v15+s15+$0x0] =	vst.idx.msk $0xffff, v14;
	v14 =	vadd.f32 v21, v5  }
0x41: {  	v22 =	vadd.s32 v1, v8;
	v17 =	vld [tilespmem:s25+$0x10];
	v13 =	vadd.f32 v16, v5;
	[tilespmem:v24+s15+$0x0] =	vst.idx.msk $0xffff, v18  }
0x42: {  	s28 =	simm.s32 $0x8;
	v21 =	vadd.s32 v1, v10;
	[tilespmem:v29+s15+$0x0] =	vst.idx.msk $0xffff, v14;
	v18 =	vadd.f32 v28, v6;
	v16 =	vld [tilespmem:s29+$0xFFFFFFF0]  }
0x43: {  	v24 =	vmov s28;
	v14 =	vadd.s32 v1, v11;
	v15 =	vld [tilespmem:s29+$0x30];
	[tilespmem:v23+s15+$0x0] =	vst.idx.msk $0xffff, v13;
	v63 =	vadd.f32 v26, v4  }
0x44: {  	s26 =	simm.s32 $0x4D80;
	s30 =	simm.s32 $0xB;
	v19 =	vadd.s32 v3, v19;
	v13 =	vand.u32 $0x7C, v24;
	v24 =	vadd.f32 v27, v6;
	[tilespmem:v25+s15+$0x0] =	vst.idx.msk $0xffff, v18;
	v18 =	vld [tilespmem:s29+$0xFFFFFFB0]  }
0x45: {  	v20 =	vadd.s32 v3, v20;
	v26 =	vmov s30;
	v23 =	vld [tilespmem:s26+$0x40];
	s29 =	simm.s32 $0xC;
	v25 =	vadd.f32 v30, v6;
	[tilespmem:v31+s15+$0x0] =	vst.idx.msk $0xffff, v63  }
.LBB2_3:
0x46: {  	p1 =	slt.u32 s29, $0x7C;
	s30 =	sadd.s32 $0x1, s28;
	v26 =	vand.u32 $0x7F, v26;
	[tilespmem:v22+s15+$0x0] =	vst.idx.msk $0xffff, v24;
	v17 =	vadd.f32 v17, v6;
	v22 =	vld [tilespmem:s25+$0x60];
	v24 =	vadd.s32 v3, v12  }
0x47: {  	v30 =	vmovc v11;
	v27 =	vld [tilespmem:s26+$0xFFFFFF80];
	v28 =	vmov s30;
	s30 =	sadd.s32 $0x2, s28;
	v29 =	vadd.s32 v0, v26;
	[tilespmem:v21+s15+$0x0] =	vst.idx.msk $0xffff, v25;
	v16 =	vadd.f32 v16, v4;
	s28 =	smov.u32 s29  }
0x48: {  	v12 =	vmovc v8;
	v21 =	vld [tilespmem:s26+$0xFFFFFFC0];
	v11 =	vmov s30;
	[tilespmem:v14+s15+$0x0] =	vst.idx.msk $0xffff, v17;
	v14 =	vadd.s32 v2, v7;
	v15 =	vadd.f32 v15, v4  }
0x49: {  	v17 =	vadd.s32 v0, v13;
	v28 =	vand.u32 $0x7D, v28;
	v25 =	vld [tilespmem:s26+$0x0];
	v31 =	vadd.f32 v18, v4;
	[tilespmem:v19+s15+$0x0] =	vst.idx.msk $0xffff, v16  }
0x4a: {  	v16 =	vadd.s32 v0, v28;
	v11 =	vand.u32 $0x7E, v11;
	v18 =	vadd.f32 v23, v9;
	v19 =	vld [tilespmem:s25+$0xFFFFFFE0];
	[tilespmem:v20+s15+$0x0] =	vst.idx.msk $0xffff, v15  }
0x4b: {  	v8 =	vmov v13;
	v15 =	vadd.s32 v0, v11;
	v20 =	vld [tilespmem:s25+$0x20];
	v22 =	vadd.f32 v22, v5;
	[tilespmem:v24+s15+$0x0] =	vst.idx.msk $0xffff, v31  }
0x4c: {  	v23 =	vadd.s32 v2, v10;
	v13 =	vadd.f32 v27, v9;
	[tilespmem:v29+s15+$0x0] =	vst.idx.msk $0xffff, v18;
	v18 =	vld [tilespmem:s25+$0xFFFFFFA0]  }
0x4d: {  	v27 =	vadd.s32 v2, v30;
	v21 =	vadd.f32 v21, v9;
	v24 =	vld [tilespmem:s26+$0x50];
	[tilespmem:v14+s15+$0x0] =	vst.idx.msk $0xffff, v22  }
0x4e: {  	[tilespmem:v17+s15+$0x0] =	vst.idx.msk $0xffff, v13;
	v13 =	vadd.f32 v25, v9;
	v25 =	vadd.s32 v2, v12;
	v29 =	vld [tilespmem:s25+$0x70]  }
0x4f: {  	v32 =	vadd.s32 v1, v26;
	v31 =	vld [tilespmem:s26+$0xFFFFFF90];
	[tilespmem:v16+s15+$0x0] =	vst.idx.msk $0xffff, v21;
	v14 =	vadd.f32 v19, v5  }
0x50: {  	v34 =	vadd.s32 v3, v7;
	v7 =	vmov v26;
	v33 =	vld [tilespmem:s26+$0xFFFFFFD0];
	[tilespmem:v15+s15+$0x0] =	vst.idx.msk $0xffff, v13;
	v13 =	vadd.f32 v20, v5  }
.Ltmp2:
0x51: {  	v22 =	vadd.s32 v1, v8;
	v17 =	vld [tilespmem:s26+$0x10];
	v15 =	vadd.f32 v18, v5;
	[tilespmem:v23+s15+$0x0] =	vst.idx.msk $0xffff, v14;
	(pc) =	sbr.rel @p1 .LBB2_3-.Ltmp2, $4  }
0x52: {  	v21 =	vadd.s32 v1, v28;
	v18 =	vadd.f32 v24, v6;
	v16 =	vld [tilespmem:s25+$0xFFFFFFF0];
	[tilespmem:v27+s15+$0x0] =	vst.idx.msk $0xffff, v13  }
0x53: {  	v14 =	vadd.s32 v1, v11;
	v13 =	vmov s29;
	[tilespmem:v25+s15+$0x0] =	vst.idx.msk $0xffff, v15;
	v15 =	vld [tilespmem:s25+$0x30];
	v27 =	vadd.f32 v29, v4  }
0x54: {  	s30 =	sadd.s32 $0x3, s29;
	v19 =	vadd.s32 v3, v10;
	v13 =	vand.u32 $0x7C, v13;
	v24 =	vadd.f32 v31, v6;
	[tilespmem:v32+s15+$0x0] =	vst.idx.msk $0xffff, v18;
	v18 =	vld [tilespmem:s25+$0xFFFFFFB0];
	s25 =	smov.u32 s26;
	s26 =	sadd.s32 $0x100, s26  }
0x55: {  	v26 =	vmov s30;
	v10 =	vmovc v28;
	v20 =	vadd.s32 v3, v30;
	s29 =	sadd.s32 $0x4, s29;
	v23 =	vld [tilespmem:s26+$0x40];
	v25 =	vadd.f32 v33, v6;
	[tilespmem:v34+s15+$0x0] =	vst.idx.msk $0xffff, v27  }
0x56: {  	s29 =	sadd.s32 $0x1, s28  }
0x57: {  	v26 =	vand.u32 $0x7F, v26;
	s28 =	sadd.s32 $0x2, s28;
	v28 =	vld [tilespmem:s26+$0xFFFFFFC0];
	v27 =	vmov s29  }
0x58: {  	v31 =	vld [tilespmem:s26+$0x0];
	v29 =	vadd.s32 v0, v26;
	v30 =	vmov s28;
	v27 =	vand.u32 $0x7D, v27  }
0x59: {  	v32 =	vld [tilespmem:s26+$0xFFFFFF80];
	v30 =	vand.u32 $0x7E, v30;
	v33 =	vadd.s32 v0, v27  }
0x5a: {  	v34 =	vadd.s32 v0, v30  }
0x5b: {  	[tilespmem:v22+s15+$0x0] =	vst.idx.msk $0xffff, v24;
	v44 =	vadd.s32 v0, v13;
	v23 =	vadd.f32 v23, v9  }
0x5c: {  	[tilespmem:v21+s15+$0x0] =	vst.idx.msk $0xffff, v25;
	v45 =	vadd.f32 v28, v9  }
0x5d: {  	v46 =	vadd.f32 v31, v9;
	[tilespmem:v29+s15+$0x0] =	vst.idx.msk $0xffff, v23  }
0x5e: {  	v47 =	vadd.f32 v32, v9;
	v48 =	vld [tilespmem:s26+$0x50];
	[tilespmem:v33+s15+$0x0] =	vst.idx.msk $0xffff, v45  }
0x5f: {  	v17 =	vadd.f32 v17, v6;
	v12 =	vadd.s32 v3, v12;
	[tilespmem:v34+s15+$0x0] =	vst.idx.msk $0xffff, v46;
	v21 =	vld [tilespmem:s26+$0xFFFFFFD0]  }
0x60: {  	v16 =	vadd.f32 v16, v4;
	v49 =	vadd.s32 v1, v26;
	[tilespmem:v44+s15+$0x0] =	vst.idx.msk $0xffff, v47;
	v50 =	vld [tilespmem:s26+$0x10]  }
0x61: {  	[tilespmem:v14+s15+$0x0] =	vst.idx.msk $0xffff, v17;
	v51 =	vadd.f32 v15, v4;
	v53 =	vadd.s32 v1, v27;
	v52 =	vld [tilespmem:s26+$0xFFFFFF90]  }
0x62: {  	v54 =	vld [tilespmem:s25+$0x60];
	v18 =	vadd.f32 v18, v4;
	[tilespmem:v19+s15+$0x0] =	vst.idx.msk $0xffff, v16;
	v55 =	vadd.s32 v1, v30  }
0x63: {  	v57 =	vadd.s32 v1, v13;
	v60 =	vld [tilespmem:s25+$0x20];
	[tilespmem:v20+s15+$0x0] =	vst.idx.msk $0xffff, v51;
	v58 =	vadd.f32 v48, v6  }
0x64: {  	v59 =	vadd.s32 v2, v7;
	v56 =	vld [tilespmem:s25+$0xFFFFFFE0];
	[tilespmem:v12+s15+$0x0] =	vst.idx.msk $0xffff, v18;
	v61 =	vadd.f32 v21, v6  }
0x65: {  	v62 =	vld [tilespmem:s25+$0xFFFFFFA0];
	v29 =	vadd.s32 v2, v11;
	[tilespmem:v49+s15+$0x0] =	vst.idx.msk $0xffff, v58;
	v28 =	vadd.f32 v50, v6  }
0x66: {  	v63 =	vadd.s32 v2, v10;
	v31 =	vadd.f32 v52, v6;
	v32 =	vld [tilespmem:s26+$0x60];
	[tilespmem:v53+s15+$0x0] =	vst.idx.msk $0xffff, v61  }
0x67: {  	v33 =	vadd.f32 v54, v5;
	v34 =	vadd.s32 v2, v8;
	[tilespmem:v55+s15+$0x0] =	vst.idx.msk $0xffff, v28;
	v35 =	vld [tilespmem:s26+$0xFFFFFFE0]  }
0x68: {  	v37 =	vadd.s32 v2, v26;
	v39 =	vadd.f32 v60, v5;
	[tilespmem:v57+s15+$0x0] =	vst.idx.msk $0xffff, v31;
	v38 =	vld [tilespmem:s26+$0x20]  }
0x69: {  	v41 =	vadd.s32 v2, v27;
	v36 =	vadd.f32 v56, v5;
	[tilespmem:v59+s15+$0x0] =	vst.idx.msk $0xffff, v33;
	v40 =	vld [tilespmem:s26+$0xFFFFFFA0]  }
0x6a: {  	v43 =	vadd.s32 v2, v30;
	v18 =	vadd.f32 v62, v5;
	v42 =	vld [tilespmem:s25+$0x70];
	[tilespmem:v29+s15+$0x0] =	vst.idx.msk $0xffff, v39  }
0x6b: {  	v45 =	vadd.s32 v2, v13;
	[tilespmem:v63+s15+$0x0] =	vst.idx.msk $0xffff, v36;
	v47 =	vld [tilespmem:s25+$0x30];
	v44 =	vadd.f32 v32, v5  }
0x6c: {  	v46 =	vadd.s32 v3, v7;
	[tilespmem:v34+s15+$0x0] =	vst.idx.msk $0xffff, v18;
	v21 =	vld [tilespmem:s25+$0xFFFFFFF0];
	v9 =	vadd.f32 v35, v5  }
0x6d: {  	v18 =	vld [tilespmem:s25+$0xFFFFFFB0];
	v50 =	vadd.s32 v3, v11;
	[tilespmem:v37+s15+$0x0] =	vst.idx.msk $0xffff, v44;
	v49 =	vadd.f32 v38, v5  }
0x6e: {  	v48 =	vadd.s32 v3, v10;
	v5 =	vadd.f32 v40, v5;
	v12 =	vld [tilespmem:s26+$0x70];
	[tilespmem:v41+s15+$0x0] =	vst.idx.msk $0xffff, v9  }
0x6f: {  	v52 =	vadd.s32 v3, v8;
	v51 =	vadd.f32 v42, v4;
	[tilespmem:v43+s15+$0x0] =	vst.idx.msk $0xffff, v49;
	v53 =	vld [tilespmem:s26+$0xFFFFFFF0]  }
0x70: {  	v55 =	vadd.s32 v3, v26;
	v56 =	vadd.f32 v47, v4;
	[tilespmem:v45+s15+$0x0] =	vst.idx.msk $0xffff, v5;
	v5 =	vld [tilespmem:s26+$0x30]  }
0x71: {  	v58 =	vadd.s32 v3, v27;
	[tilespmem:v46+s15+$0x0] =	vst.idx.msk $0xffff, v51;
	v54 =	vadd.f32 v21, v4;
	v57 =	vld [tilespmem:s26+$0xFFFFFFB0]  }
0x72: {  	v60 =	vadd.s32 v3, v30;
	v59 =	vadd.f32 v18, v4;
	[tilespmem:v50+s15+$0x0] =	vst.idx.msk $0xffff, v56  }
0x73: {  	v62 =	vadd.s32 v3, v13;
	[tilespmem:v48+s15+$0x0] =	vst.idx.msk $0xffff, v54;
	v61 =	vadd.f32 v12, v4  }
0x74: {  	[tilespmem:v52+s15+$0x0] =	vst.idx.msk $0xffff, v59;
	v63 =	vadd.f32 v53, v4  }
0x75: {  	s24 =	sshll.u32 s24, $0x7;
	[tilespmem:v55+s15+$0x0] =	vst.idx.msk $0xffff, v61;
	v5 =	vadd.f32 v5, v4  }
0x76: {  	s24 =	sand.u32 $0x300, s24;
	v4 =	vadd.f32 v57, v4;
	[tilespmem:v58+s15+$0x0] =	vst.idx.msk $0xffff, v63  }
0x77: {  	s23 =	sshll.u32 s23, $0xD;
	s24 =	sadd.s32 s2, s24;
	[tilespmem:v60+s15+$0x0] =	vst.idx.msk $0xffff, v5  }
0x78: {  	s24 =	sadd.s32 s23, s24;
	s25 =	simm.s32 $0x8B00;
	[tilespmem:v62+s15+$0x0] =	vst.idx.msk $0xffff, v4  }
0x79: {  	[hbm4b:s24+s3] =	stream.linear.scatter [tilespmem:s25], [sflag:$0x3], $0x80, $0x38;
	[tilespmem:$0xCF00] =	vst v63  }
0x7a: {  	s29 =	sadd.s32 $0x10, s24;
	s26 =	simm.s32 $0x8B88  }
0x7b: {  	[hbm4b:s29+s3] =	stream.linear.scatter [tilespmem:s26], [sflag:$0x3], $0x80, $0x38;
	[tilespmem:$0xCF00] =	vst v63  }
0x7c: {  	s30 =	simm.s32 $0x8C10;
	s23 =	simm.s32 $0x440;
	s31 =	sadd.s32 $0x20, s24  }
0x7d: {  	[hbm4b:s31+s3] =	stream.linear.scatter [tilespmem:s30], [sflag:$0x3], $0x80, $0x38;
	[tilespmem:$0xCF00] =	vst v63  }
0x7e: {  	s28 =	sadd.s32 $0x70, s24;
	s26 =	simm.s32 $0x8C98;
	s29 =	sadd.s32 $0x30, s24  }
0x7f: {  	[hbm4b:s29+s3] =	stream.linear.scatter [tilespmem:s26], [sflag:$0x3], $0x80, $0x38;
	[tilespmem:$0xCF00] =	vst v63  }
0x80: {  	s25 =	simm.s32 $0x2200;
	s30 =	simm.s32 $0x8D20;
	s31 =	sadd.s32 $0x40, s24  }
0x81: {  	[hbm4b:s31+s3] =	stream.linear.scatter [tilespmem:s30], [sflag:$0x3], $0x80, $0x38;
	[tilespmem:$0xCF00] =	vst v63  }
0x82: {  	s26 =	simm.s32 $0x8DA8;
	s29 =	sadd.s32 $0x50, s24;
	s30 =	simm.s32 $0x8E30  }
0x83: {  	[hbm4b:s29+s3] =	stream.linear.scatter [tilespmem:s26], [sflag:$0x3], $0x80, $0x38;
	[tilespmem:$0xCF00] =	vst v63  }
0x84: {  	s31 =	sadd.s32 $0x60, s24;
	s24 =	sadd.s32 $0x400, s24;
	s26 =	simm.s32 $0x8EB8  }
0x85: {  	[hbm4b:s31+s3] =	stream.linear.scatter [tilespmem:s30], [sflag:$0x3], $0x80, $0x38;
	[tilespmem:$0xCF00] =	vst v63  }
.LBB2_5:
0x86: {  	[hbm4b:s28+s3] =	stream.linear.scatter [tilespmem:s26], [sflag:$0x3], $0x80, $0x38;
	[tilespmem:$0xCF00] =	vst v63  }
0x87: {  	s26 =	smov.u32 s23;
	s23 =	smov.u32 s25  }
0x88: {  	s29 =	sadd.s32 $0x1100, s25;
	s23 =	sshra.s32 s23, $0x2;
	s28 =	sadd.s32 $0x8B00, s26  }
0x89: {  	[hbm4b:s24+s3] =	stream.linear.scatter [tilespmem:s28], [sflag:$0x3], $0x80, $0x38;
	[tilespmem:$0xCF00] =	vst v63  }
0x8a: {  	p1 =	sne.s32 s25, $0x7700;
	s25 =	sadd.s32 $0x8B88, s26;
	s28 =	sadd.s32 $0x10, s24  }
0x8b: {  	[hbm4b:s28+s3] =	stream.linear.scatter [tilespmem:s25], [sflag:$0x3], $0x80, $0x38;
	[tilespmem:$0xCF00] =	vst v63  }
0x8c: {  	s25 =	sadd.s32 $0x8C10, s26;
	s28 =	sadd.s32 $0x20, s24  }
0x8d: {  	[hbm4b:s28+s3] =	stream.linear.scatter [tilespmem:s25], [sflag:$0x3], $0x80, $0x38;
	[tilespmem:$0xCF00] =	vst v63  }
0x8e: {  	s25 =	sadd.s32 $0x8C98, s26;
	s28 =	sadd.s32 $0x30, s24  }
0x8f: {  	[hbm4b:s28+s3] =	stream.linear.scatter [tilespmem:s25], [sflag:$0x3], $0x80, $0x38;
	[tilespmem:$0xCF00] =	vst v63  }
0x90: {  	s25 =	sadd.s32 $0x8D20, s26;
	s28 =	sadd.s32 $0x40, s24  }
0x91: {  	[hbm4b:s28+s3] =	stream.linear.scatter [tilespmem:s25], [sflag:$0x3], $0x80, $0x38;
	[tilespmem:$0xCF00] =	vst v63  }
.Ltmp3:
0x92: {  	s25 =	sadd.s32 $0x8DA8, s26;
	s28 =	sadd.s32 $0x50, s24;
	(pc) =	sbr.rel @p1 .LBB2_5-.Ltmp3, $4  }
0x93: {  	[hbm4b:s28+s3] =	stream.linear.scatter [tilespmem:s25], [sflag:$0x3], $0x80, $0x38;
	[tilespmem:$0xCF00] =	vst v63  }
0x94: {  	s25 =	sadd.s32 $0x8E30, s26;
	s28 =	sadd.s32 $0x60, s24;
	s26 =	sadd.s32 $0x8EB8, s26  }
0x95: {  	[hbm4b:s28+s3] =	stream.linear.scatter [tilespmem:s25], [sflag:$0x3], $0x80, $0x38;
	[tilespmem:$0xCF00] =	vst v63  }
0x96: {  	s28 =	sadd.s32 $0x70, s24;
	s24 =	sadd.s32 $0x400, s24;
	s25 =	smov.u32 s29  }
0x97: {  	[hbm4b:s28+s3] =	stream.linear.scatter [tilespmem:s26], [sflag:$0x3], $0x80, $0x38;
	[tilespmem:$0xCF00] =	vst v63  }
0x98: {  	s25 =	sadd.s32 $0x8B00, s23  }
0x99: {  	[hbm4b:s24+s3] =	stream.linear.scatter [tilespmem:s25], [sflag:$0x3], $0x80, $0x38;
	[tilespmem:$0xCF00] =	vst v63  }
0x9a: {  	s26 =	sadd.s32 $0x8B88, s23;
	s29 =	sadd.s32 $0x10, s24  }
0x9b: {  	[hbm4b:s29+s3] =	stream.linear.scatter [tilespmem:s26], [sflag:$0x3], $0x80, $0x38;
	[tilespmem:$0xCF00] =	vst v63  }
0x9c: {  	s30 =	sadd.s32 $0x8C10, s23;
	s31 =	sadd.s32 $0x20, s24  }
0x9d: {  	[hbm4b:s31+s3] =	stream.linear.scatter [tilespmem:s30], [sflag:$0x3], $0x80, $0x38;
	[tilespmem:$0xCF00] =	vst v63  }
0x9e: {  	s26 =	sadd.s32 $0x8C98, s23;
	s29 =	sadd.s32 $0x30, s24  }
0x9f: {  	[hbm4b:s29+s3] =	stream.linear.scatter [tilespmem:s26], [sflag:$0x3], $0x80, $0x38;
	[tilespmem:$0xCF00] =	vst v63  }
0xa0: {  	p1 =	seq.s32 s21, $0x18;
	s30 =	sadd.s32 $0x8D20, s23;
	s31 =	sadd.s32 $0x40, s24  }
0xa1: {  	[hbm4b:s31+s3] =	stream.linear.scatter [tilespmem:s30], [sflag:$0x3], $0x80, $0x38;
	[tilespmem:$0xCF00] =	vst v63  }
0xa2: {  	s26 =	sadd.s32 $0x8DA8, s23;
	s29 =	sadd.s32 $0x50, s24;
	s30 =	sadd.s32 $0x8E30, s23  }
0xa3: {  	[hbm4b:s29+s3] =	stream.linear.scatter [tilespmem:s26], [sflag:$0x3], $0x80, $0x38;
	[tilespmem:$0xCF00] =	vst v63  }
0xa4: {  	s31 =	sadd.s32 $0x60, s24;
	s29 =	sadd.s32 $0x8EB8, s23;
	s23 =	sshll.u32 @!p1 s21, $0x8  }
0xa5: {  	[hbm4b:s31+s3] =	stream.linear.scatter [tilespmem:s30], [sflag:$0x3], $0x80, $0x38;
	[tilespmem:$0xCF00] =	vst v63  }
0xa6: {  	s23 =	sand.u32 @!p1 $0x3FFFFF00, s23;
	s30 =	sadd.s32 $0x70, s24  }
0xa7: {  	[hbm4b:s30+s3] =	stream.linear.scatter [tilespmem:s29], [sflag:$0x3], $0x80, $0x38;
	[tilespmem:$0xCF00] =	vst v63  }
0xa8: {  	s25 =	simm.s32 @!p1 $0x4B00;
	s23 =	sadd.s32 @!p1 $0x100, s23;
	s24 =	simm.s32 @!p1 $0x80  }
0xa9: {  	[tilespmem:s25], [sflag:$0x1] =	stream.indirect.gather @!p1 [hbm4b:s4+s24], $0x40, s23, s24, $0xb8;
	[tilespmem:$0xCF00] =	vst v63  }
0xaa: {  	_ =	swait.ge [sflag:s16], $0x2000  }
0xab: {  	s22 =	sadd.s32 s22, s6;
	[sflag:s16] =	ssyncset.done $0x0  }
0xac: {  	s23 =	sadd.s32 $0x1, s22;
	s24 =	simm.s32 @!p0 $0x4;
	[sflag:s16] =	ssyncadd.s32 $0xFFFFE000  }
0xad: {  	s22 =	sshrl.u32 s23, $0x3;
	_ =	swait.ge @!p0 [sflag:s24], $0x2000  }
0xae: {  	s31 =	sshll.u32 s22, $0x6;
	[sflag:s24] =	ssyncset.done @!p0 $0x0  }
0xaf: {  	[sflag:s24] =	ssyncadd.s32 @!p0 $0xFFFFE000;
	s24 =	sand.u32 $0x3FFFFFC0, s31  }
0xb0: {  	s28 =	simm.s32 $0x6B80;
	s26 =	simm.s32 $0x3;
	v9 =	vld [tilespmem:s24+$0x1900]  }
0xb1: {  	v4 =	vmov s26;
	v7 =	vld [tilespmem:s28+$0x40]  }
0xb2: {  	v13 =	vand.u32 $0x7F, v4;
	s29 =	simm.s32 $0x0  }
0xb3: {  	v8 =	vadd.s32 v0, v13;
	v4 =	vmov s29;
	v6 =	vld [tilespmem:s24+$0x1910]  }
0xb4: {  	s30 =	simm.s32 $0x1;
	v12 =	vand.u32 $0x7C, v4;
	v10 =	vld [tilespmem:s28+$0xFFFFFF80]  }
0xb5: {  	v4 =	vmov s30;
	v15 =	vadd.s32 v0, v12;
	s31 =	simm.s32 $0x2;
	v11 =	vld [tilespmem:s28+$0xFFFFFFC0]  }
0xb6: {  	v19 =	vand.u32 $0x7D, v4;
	v14 =	vmov s31;
	v16 =	vld [tilespmem:s28+$0x0];
	v7 =	vadd.f32 v7, v9  }
0xb7: {  	v17 =	vadd.s32 v0, v19;
	v5 =	vld [tilespmem:s24+$0x1920];
	v20 =	vand.u32 $0x7E, v14  }
0xb8: {  	v4 =	vld [tilespmem:s24+$0x1930];
	v14 =	vadd.s32 v0, v20;
	[tilespmem:v8+s17+$0x0] =	vst.idx.msk $0xffff, v7  }
0xb9: {  	v7 =	vadd.f32 v10, v9;
	v8 =	vld [tilespmem:s28+$0x50]  }
0xba: {  	v10 =	vadd.f32 v11, v9  }
0xbb: {  	v11 =	vadd.s32 v1, v13;
	[tilespmem:v15+s17+$0x0] =	vst.idx.msk $0xffff, v7;
	v7 =	vadd.f32 v16, v9  }
0xbc: {  	[tilespmem:v17+s17+$0x0] =	vst.idx.msk $0xffff, v10;
	v15 =	vld [tilespmem:s28+$0xFFFFFF90]  }
0xbd: {  	v10 =	vld [tilespmem:s28+$0xFFFFFFD0];
	[tilespmem:v14+s17+$0x0] =	vst.idx.msk $0xffff, v7  }
0xbe: {  	v14 =	vld [tilespmem:s28+$0x10];
	v7 =	vadd.f32 v8, v6  }
0xbf: {  	s29 =	simm.s32 $0x7;
	s24 =	simm.s32 $0x6C80;
	v16 =	vadd.s32 v1, v19  }
0xc0: {  	s26 =	simm.s32 $0x4;
	v26 =	vadd.s32 v2, v13;
	v18 =	vld [tilespmem:s24+$0x40];
	v17 =	vadd.s32 v1, v20;
	[tilespmem:v11+s17+$0x0] =	vst.idx.msk $0xffff, v7;
	v7 =	vmov s29  }
0xc1: {  	v21 =	vadd.s32 v1, v12;
	v8 =	vmov s26;
	v7 =	vand.u32 $0x7F, v7;
	v22 =	vld [tilespmem:s28+$0x60]  }
0xc2: {  	s30 =	simm.s32 $0x5;
	v23 =	vld [tilespmem:s24+$0xFFFFFF80];
	v8 =	vand.u32 $0x7C, v8;
	v10 =	vadd.f32 v10, v6;
	v24 =	vadd.s32 v0, v7  }
0xc3: {  	s31 =	simm.s32 $0x6;
	v25 =	vld [tilespmem:s24+$0xFFFFFFC0];
	v15 =	vadd.f32 v15, v6;
	v11 =	vadd.f32 v14, v6;
	v14 =	vmov s30  }
0xc4: {  	v27 =	vadd.s32 v0, v8;
	[tilespmem:v16+s17+$0x0] =	vst.idx.msk $0xffff, v10;
	v16 =	vmov s31;
	v10 =	vand.u32 $0x7D, v14;
	v14 =	vld [tilespmem:s24+$0x0]  }
0xc5: {  	[tilespmem:v17+s17+$0x0] =	vst.idx.msk $0xffff, v11;
	v17 =	vadd.s32 v0, v10;
	v11 =	vand.u32 $0x7E, v16;
	v16 =	vadd.f32 v18, v9;
	v18 =	vld [tilespmem:s28+$0xFFFFFFE0]  }
0xc6: {  	[tilespmem:v21+s17+$0x0] =	vst.idx.msk $0xffff, v15;
	v15 =	vadd.s32 v0, v11;
	v21 =	vld [tilespmem:s28+$0x20];
	v22 =	vadd.f32 v22, v5  }
0xc7: {  	v23 =	vadd.f32 v23, v9;
	[tilespmem:v24+s17+$0x0] =	vst.idx.msk $0xffff, v16;
	v16 =	vld [tilespmem:s28+$0xFFFFFFA0];
	v24 =	vadd.s32 v2, v19  }
0xc8: {  	v29 =	vadd.s32 v2, v20;
	v25 =	vadd.f32 v25, v9;
	v28 =	vld [tilespmem:s24+$0x50];
	[tilespmem:v26+s17+$0x0] =	vst.idx.msk $0xffff, v22  }
0xc9: {  	[tilespmem:v27+s17+$0x0] =	vst.idx.msk $0xffff, v23;
	v23 =	vadd.s32 v2, v12;
	v14 =	vadd.f32 v14, v9;
	v26 =	vld [tilespmem:s28+$0x70]  }
0xca: {  	v27 =	vld [tilespmem:s24+$0xFFFFFF90];
	[tilespmem:v17+s17+$0x0] =	vst.idx.msk $0xffff, v25;
	v25 =	vadd.s32 v1, v7;
	v18 =	vadd.f32 v18, v5  }
0xcb: {  	v31 =	vadd.s32 v3, v13;
	v30 =	vld [tilespmem:s24+$0xFFFFFFD0];
	[tilespmem:v15+s17+$0x0] =	vst.idx.msk $0xffff, v14;
	v14 =	vadd.f32 v21, v5  }
0xcc: {  	v22 =	vadd.s32 v1, v8;
	v17 =	vld [tilespmem:s24+$0x10];
	v13 =	vadd.f32 v16, v5;
	[tilespmem:v24+s17+$0x0] =	vst.idx.msk $0xffff, v18  }
0xcd: {  	s26 =	simm.s32 $0x8;
	v21 =	vadd.s32 v1, v10;
	[tilespmem:v29+s17+$0x0] =	vst.idx.msk $0xffff, v14;
	v18 =	vadd.f32 v28, v6;
	v16 =	vld [tilespmem:s28+$0xFFFFFFF0]  }
0xce: {  	v24 =	vmov s26;
	v14 =	vadd.s32 v1, v11;
	v15 =	vld [tilespmem:s28+$0x30];
	[tilespmem:v23+s17+$0x0] =	vst.idx.msk $0xffff, v13;
	v63 =	vadd.f32 v26, v4  }
0xcf: {  	s25 =	simm.s32 $0x6D80;
	s29 =	simm.s32 $0xB;
	v19 =	vadd.s32 v3, v19;
	v13 =	vand.u32 $0x7C, v24;
	v24 =	vadd.f32 v27, v6;
	[tilespmem:v25+s17+$0x0] =	vst.idx.msk $0xffff, v18;
	v18 =	vld [tilespmem:s28+$0xFFFFFFB0]  }
0xd0: {  	v20 =	vadd.s32 v3, v20;
	v26 =	vmov s29;
	v23 =	vld [tilespmem:s25+$0x40];
	s28 =	simm.s32 $0xC;
	v25 =	vadd.f32 v30, v6;
	[tilespmem:v31+s17+$0x0] =	vst.idx.msk $0xffff, v63  }
.LBB2_7:
0xd1: {  	p0 =	slt.u32 s28, $0x7C;
	s29 =	sadd.s32 $0x1, s26;
	v26 =	vand.u32 $0x7F, v26;
	[tilespmem:v22+s17+$0x0] =	vst.idx.msk $0xffff, v24;
	v17 =	vadd.f32 v17, v6;
	v22 =	vld [tilespmem:s24+$0x60];
	v24 =	vadd.s32 v3, v12  }
0xd2: {  	v30 =	vmovc v11;
	v27 =	vld [tilespmem:s25+$0xFFFFFF80];
	v28 =	vmov s29;
	s29 =	sadd.s32 $0x2, s26;
	v29 =	vadd.s32 v0, v26;
	[tilespmem:v21+s17+$0x0] =	vst.idx.msk $0xffff, v25;
	v16 =	vadd.f32 v16, v4;
	s26 =	smov.u32 s28  }
0xd3: {  	v12 =	vmovc v8;
	v21 =	vld [tilespmem:s25+$0xFFFFFFC0];
	v11 =	vmov s29;
	[tilespmem:v14+s17+$0x0] =	vst.idx.msk $0xffff, v17;
	v14 =	vadd.s32 v2, v7;
	v15 =	vadd.f32 v15, v4  }
0xd4: {  	v17 =	vadd.s32 v0, v13;
	v28 =	vand.u32 $0x7D, v28;
	v25 =	vld [tilespmem:s25+$0x0];
	v31 =	vadd.f32 v18, v4;
	[tilespmem:v19+s17+$0x0] =	vst.idx.msk $0xffff, v16  }
0xd5: {  	v16 =	vadd.s32 v0, v28;
	v11 =	vand.u32 $0x7E, v11;
	v18 =	vadd.f32 v23, v9;
	v19 =	vld [tilespmem:s24+$0xFFFFFFE0];
	[tilespmem:v20+s17+$0x0] =	vst.idx.msk $0xffff, v15  }
0xd6: {  	v8 =	vmov v13;
	v15 =	vadd.s32 v0, v11;
	v20 =	vld [tilespmem:s24+$0x20];
	v22 =	vadd.f32 v22, v5;
	[tilespmem:v24+s17+$0x0] =	vst.idx.msk $0xffff, v31  }
0xd7: {  	v23 =	vadd.s32 v2, v10;
	v13 =	vadd.f32 v27, v9;
	[tilespmem:v29+s17+$0x0] =	vst.idx.msk $0xffff, v18;
	v18 =	vld [tilespmem:s24+$0xFFFFFFA0]  }
0xd8: {  	v27 =	vadd.s32 v2, v30;
	v21 =	vadd.f32 v21, v9;
	v24 =	vld [tilespmem:s25+$0x50];
	[tilespmem:v14+s17+$0x0] =	vst.idx.msk $0xffff, v22  }
0xd9: {  	[tilespmem:v17+s17+$0x0] =	vst.idx.msk $0xffff, v13;
	v13 =	vadd.f32 v25, v9;
	v25 =	vadd.s32 v2, v12;
	v29 =	vld [tilespmem:s24+$0x70]  }
0xda: {  	v32 =	vadd.s32 v1, v26;
	v31 =	vld [tilespmem:s25+$0xFFFFFF90];
	[tilespmem:v16+s17+$0x0] =	vst.idx.msk $0xffff, v21;
	v14 =	vadd.f32 v19, v5  }
0xdb: {  	v34 =	vadd.s32 v3, v7;
	v7 =	vmov v26;
	v33 =	vld [tilespmem:s25+$0xFFFFFFD0];
	[tilespmem:v15+s17+$0x0] =	vst.idx.msk $0xffff, v13;
	v13 =	vadd.f32 v20, v5  }
.Ltmp4:
0xdc: {  	v22 =	vadd.s32 v1, v8;
	v17 =	vld [tilespmem:s25+$0x10];
	v15 =	vadd.f32 v18, v5;
	[tilespmem:v23+s17+$0x0] =	vst.idx.msk $0xffff, v14;
	(pc) =	sbr.rel @p0 .LBB2_7-.Ltmp4, $4  }
0xdd: {  	v21 =	vadd.s32 v1, v28;
	v18 =	vadd.f32 v24, v6;
	v16 =	vld [tilespmem:s24+$0xFFFFFFF0];
	[tilespmem:v27+s17+$0x0] =	vst.idx.msk $0xffff, v13  }
0xde: {  	v14 =	vadd.s32 v1, v11;
	v13 =	vmov s28;
	[tilespmem:v25+s17+$0x0] =	vst.idx.msk $0xffff, v15;
	v15 =	vld [tilespmem:s24+$0x30];
	v27 =	vadd.f32 v29, v4  }
0xdf: {  	s29 =	sadd.s32 $0x3, s28;
	v19 =	vadd.s32 v3, v10;
	v13 =	vand.u32 $0x7C, v13;
	v24 =	vadd.f32 v31, v6;
	[tilespmem:v32+s17+$0x0] =	vst.idx.msk $0xffff, v18;
	v18 =	vld [tilespmem:s24+$0xFFFFFFB0];
	s24 =	smov.u32 s25;
	s25 =	sadd.s32 $0x100, s25  }
0xe0: {  	v26 =	vmov s29;
	v10 =	vmovc v28;
	v20 =	vadd.s32 v3, v30;
	s28 =	sadd.s32 $0x4, s28;
	v23 =	vld [tilespmem:s25+$0x40];
	v25 =	vadd.f32 v33, v6;
	[tilespmem:v34+s17+$0x0] =	vst.idx.msk $0xffff, v27  }
0xe1: {  	s28 =	sadd.s32 $0x1, s26  }
0xe2: {  	v26 =	vand.u32 $0x7F, v26;
	s31 =	sadd.s32 $0x2, s26;
	v28 =	vld [tilespmem:s25+$0xFFFFFFC0];
	v27 =	vmov s28  }
0xe3: {  	v31 =	vld [tilespmem:s25+$0x0];
	v29 =	vadd.s32 v0, v26;
	v30 =	vmov s31;
	v27 =	vand.u32 $0x7D, v27  }
0xe4: {  	v32 =	vld [tilespmem:s25+$0xFFFFFF80];
	v30 =	vand.u32 $0x7E, v30;
	v33 =	vadd.s32 v0, v27  }
0xe5: {  	v34 =	vadd.s32 v0, v30  }
0xe6: {  	[tilespmem:v22+s17+$0x0] =	vst.idx.msk $0xffff, v24;
	v44 =	vadd.s32 v0, v13;
	v23 =	vadd.f32 v23, v9  }
0xe7: {  	[tilespmem:v21+s17+$0x0] =	vst.idx.msk $0xffff, v25;
	v45 =	vadd.f32 v28, v9  }
0xe8: {  	v46 =	vadd.f32 v31, v9;
	[tilespmem:v29+s17+$0x0] =	vst.idx.msk $0xffff, v23  }
0xe9: {  	v47 =	vadd.f32 v32, v9;
	v48 =	vld [tilespmem:s25+$0x50];
	[tilespmem:v33+s17+$0x0] =	vst.idx.msk $0xffff, v45  }
0xea: {  	v17 =	vadd.f32 v17, v6;
	v12 =	vadd.s32 v3, v12;
	[tilespmem:v34+s17+$0x0] =	vst.idx.msk $0xffff, v46;
	v21 =	vld [tilespmem:s25+$0xFFFFFFD0]  }
0xeb: {  	v16 =	vadd.f32 v16, v4;
	v49 =	vadd.s32 v1, v26;
	[tilespmem:v44+s17+$0x0] =	vst.idx.msk $0xffff, v47;
	v50 =	vld [tilespmem:s25+$0x10]  }
0xec: {  	[tilespmem:v14+s17+$0x0] =	vst.idx.msk $0xffff, v17;
	v51 =	vadd.f32 v15, v4;
	v53 =	vadd.s32 v1, v27;
	v52 =	vld [tilespmem:s25+$0xFFFFFF90]  }
0xed: {  	v54 =	vld [tilespmem:s24+$0x60];
	v18 =	vadd.f32 v18, v4;
	[tilespmem:v19+s17+$0x0] =	vst.idx.msk $0xffff, v16;
	v55 =	vadd.s32 v1, v30  }
0xee: {  	v57 =	vadd.s32 v1, v13;
	v60 =	vld [tilespmem:s24+$0x20];
	[tilespmem:v20+s17+$0x0] =	vst.idx.msk $0xffff, v51;
	v58 =	vadd.f32 v48, v6  }
0xef: {  	v59 =	vadd.s32 v2, v7;
	v56 =	vld [tilespmem:s24+$0xFFFFFFE0];
	[tilespmem:v12+s17+$0x0] =	vst.idx.msk $0xffff, v18;
	v61 =	vadd.f32 v21, v6  }
0xf0: {  	v62 =	vld [tilespmem:s24+$0xFFFFFFA0];
	v29 =	vadd.s32 v2, v11;
	[tilespmem:v49+s17+$0x0] =	vst.idx.msk $0xffff, v58;
	v28 =	vadd.f32 v50, v6  }
0xf1: {  	v63 =	vadd.s32 v2, v10;
	v31 =	vadd.f32 v52, v6;
	v32 =	vld [tilespmem:s25+$0x60];
	[tilespmem:v53+s17+$0x0] =	vst.idx.msk $0xffff, v61  }
0xf2: {  	v33 =	vadd.f32 v54, v5;
	v34 =	vadd.s32 v2, v8;
	[tilespmem:v55+s17+$0x0] =	vst.idx.msk $0xffff, v28;
	v35 =	vld [tilespmem:s25+$0xFFFFFFE0]  }
0xf3: {  	v37 =	vadd.s32 v2, v26;
	v39 =	vadd.f32 v60, v5;
	[tilespmem:v57+s17+$0x0] =	vst.idx.msk $0xffff, v31;
	v38 =	vld [tilespmem:s25+$0x20]  }
0xf4: {  	v41 =	vadd.s32 v2, v27;
	v36 =	vadd.f32 v56, v5;
	[tilespmem:v59+s17+$0x0] =	vst.idx.msk $0xffff, v33;
	v40 =	vld [tilespmem:s25+$0xFFFFFFA0]  }
0xf5: {  	v43 =	vadd.s32 v2, v30;
	v18 =	vadd.f32 v62, v5;
	v42 =	vld [tilespmem:s24+$0x70];
	[tilespmem:v29+s17+$0x0] =	vst.idx.msk $0xffff, v39  }
0xf6: {  	v45 =	vadd.s32 v2, v13;
	[tilespmem:v63+s17+$0x0] =	vst.idx.msk $0xffff, v36;
	v47 =	vld [tilespmem:s24+$0x30];
	v44 =	vadd.f32 v32, v5  }
0xf7: {  	v46 =	vadd.s32 v3, v7;
	[tilespmem:v34+s17+$0x0] =	vst.idx.msk $0xffff, v18;
	v21 =	vld [tilespmem:s24+$0xFFFFFFF0];
	v9 =	vadd.f32 v35, v5  }
0xf8: {  	v18 =	vld [tilespmem:s24+$0xFFFFFFB0];
	v50 =	vadd.s32 v3, v11;
	[tilespmem:v37+s17+$0x0] =	vst.idx.msk $0xffff, v44;
	v49 =	vadd.f32 v38, v5  }
0xf9: {  	v48 =	vadd.s32 v3, v10;
	v5 =	vadd.f32 v40, v5;
	v12 =	vld [tilespmem:s25+$0x70];
	[tilespmem:v41+s17+$0x0] =	vst.idx.msk $0xffff, v9  }
0xfa: {  	v52 =	vadd.s32 v3, v8;
	v51 =	vadd.f32 v42, v4;
	[tilespmem:v43+s17+$0x0] =	vst.idx.msk $0xffff, v49;
	v53 =	vld [tilespmem:s25+$0xFFFFFFF0]  }
0xfb: {  	v55 =	vadd.s32 v3, v26;
	v56 =	vadd.f32 v47, v4;
	[tilespmem:v45+s17+$0x0] =	vst.idx.msk $0xffff, v5;
	v5 =	vld [tilespmem:s25+$0x30]  }
0xfc: {  	v58 =	vadd.s32 v3, v27;
	[tilespmem:v46+s17+$0x0] =	vst.idx.msk $0xffff, v51;
	v54 =	vadd.f32 v21, v4;
	v57 =	vld [tilespmem:s25+$0xFFFFFFB0]  }
0xfd: {  	v60 =	vadd.s32 v3, v30;
	v59 =	vadd.f32 v18, v4;
	[tilespmem:v50+s17+$0x0] =	vst.idx.msk $0xffff, v56  }
0xfe: {  	v62 =	vadd.s32 v3, v13;
	[tilespmem:v48+s17+$0x0] =	vst.idx.msk $0xffff, v54;
	v61 =	vadd.f32 v12, v4  }
0xff: {  	[tilespmem:v52+s17+$0x0] =	vst.idx.msk $0xffff, v59;
	v63 =	vadd.f32 v53, v4  }
0x100: {  	s23 =	sshll.u32 s23, $0x7;
	[tilespmem:v55+s17+$0x0] =	vst.idx.msk $0xffff, v61;
	v5 =	vadd.f32 v5, v4  }
0x101: {  	s23 =	sand.u32 $0x380, s23;
	v4 =	vadd.f32 v57, v4;
	[tilespmem:v58+s17+$0x0] =	vst.idx.msk $0xffff, v63  }
0x102: {  	s22 =	sshll.u32 s22, $0xD;
	s23 =	sadd.s32 s2, s23;
	[tilespmem:v60+s17+$0x0] =	vst.idx.msk $0xffff, v5  }
0x103: {  	s23 =	sadd.s32 s22, s23;
	s24 =	simm.s32 $0xAD00;
	[tilespmem:v62+s17+$0x0] =	vst.idx.msk $0xffff, v4  }
0x104: {  	[hbm4b:s23+s3] =	stream.linear.scatter [tilespmem:s24], [sflag:$0x4], $0x80, $0x38;
	[tilespmem:$0xCF00] =	vst v63  }
0x105: {  	s26 =	sadd.s32 $0x10, s23;
	s25 =	simm.s32 $0xAD88  }
0x106: {  	[hbm4b:s26+s3] =	stream.linear.scatter [tilespmem:s25], [sflag:$0x4], $0x80, $0x38;
	[tilespmem:$0xCF00] =	vst v63  }
0x107: {  	s30 =	simm.s32 $0xAE98;
	s28 =	simm.s32 $0xAE10;
	s29 =	sadd.s32 $0x20, s23  }
0x108: {  	[hbm4b:s29+s3] =	stream.linear.scatter [tilespmem:s28], [sflag:$0x4], $0x80, $0x38;
	[tilespmem:$0xCF00] =	vst v63  }
0x109: {  	s22 =	simm.s32 $0x440;
	s31 =	sadd.s32 $0x30, s23;
	s24 =	simm.s32 $0x2200  }
0x10a: {  	[hbm4b:s31+s3] =	stream.linear.scatter [tilespmem:s30], [sflag:$0x4], $0x80, $0x38;
	[tilespmem:$0xCF00] =	vst v63  }
0x10b: {  	s25 =	simm.s32 $0xAF20;
	s26 =	sadd.s32 $0x40, s23;
	s28 =	simm.s32 $0xAFA8  }
0x10c: {  	[hbm4b:s26+s3] =	stream.linear.scatter [tilespmem:s25], [sflag:$0x4], $0x80, $0x38;
	[tilespmem:$0xCF00] =	vst v63  }
0x10d: {  	s29 =	sadd.s32 $0x50, s23;
	s30 =	simm.s32 $0xB030;
	s31 =	sadd.s32 $0x60, s23  }
0x10e: {  	[hbm4b:s29+s3] =	stream.linear.scatter [tilespmem:s28], [sflag:$0x4], $0x80, $0x38;
	[tilespmem:$0xCF00] =	vst v63  }
0x10f: {  	s25 =	simm.s32 $0xB0B8;
	s26 =	sadd.s32 $0x70, s23;
	s23 =	sadd.s32 $0x400, s23  }
0x110: {  	[hbm4b:s31+s3] =	stream.linear.scatter [tilespmem:s30], [sflag:$0x4], $0x80, $0x38;
	[tilespmem:$0xCF00] =	vst v63  }
.LBB2_9:
0x111: {  	[hbm4b:s26+s3] =	stream.linear.scatter [tilespmem:s25], [sflag:$0x4], $0x80, $0x38;
	[tilespmem:$0xCF00] =	vst v63  }
0x112: {  	s25 =	smov.u32 s22;
	s22 =	smov.u32 s24  }
0x113: {  	s28 =	sadd.s32 $0x1100, s24;
	s22 =	sshra.s32 s22, $0x2;
	s26 =	sadd.s32 $0xAD00, s25  }
0x114: {  	[hbm4b:s23+s3] =	stream.linear.scatter [tilespmem:s26], [sflag:$0x4], $0x80, $0x38;
	[tilespmem:$0xCF00] =	vst v63  }
0x115: {  	p0 =	sne.s32 s24, $0x7700;
	s24 =	sadd.s32 $0xAD88, s25;
	s26 =	sadd.s32 $0x10, s23  }
0x116: {  	[hbm4b:s26+s3] =	stream.linear.scatter [tilespmem:s24], [sflag:$0x4], $0x80, $0x38;
	[tilespmem:$0xCF00] =	vst v63  }
0x117: {  	s24 =	sadd.s32 $0xAE10, s25;
	s26 =	sadd.s32 $0x20, s23  }
0x118: {  	[hbm4b:s26+s3] =	stream.linear.scatter [tilespmem:s24], [sflag:$0x4], $0x80, $0x38;
	[tilespmem:$0xCF00] =	vst v63  }
0x119: {  	s24 =	sadd.s32 $0xAE98, s25;
	s26 =	sadd.s32 $0x30, s23  }
0x11a: {  	[hbm4b:s26+s3] =	stream.linear.scatter [tilespmem:s24], [sflag:$0x4], $0x80, $0x38;
	[tilespmem:$0xCF00] =	vst v63  }
0x11b: {  	s24 =	sadd.s32 $0xAF20, s25;
	s26 =	sadd.s32 $0x40, s23  }
0x11c: {  	[hbm4b:s26+s3] =	stream.linear.scatter [tilespmem:s24], [sflag:$0x4], $0x80, $0x38;
	[tilespmem:$0xCF00] =	vst v63  }
.Ltmp5:
0x11d: {  	s24 =	sadd.s32 $0xAFA8, s25;
	s26 =	sadd.s32 $0x50, s23;
	(pc) =	sbr.rel @p0 .LBB2_9-.Ltmp5, $4  }
0x11e: {  	[hbm4b:s26+s3] =	stream.linear.scatter [tilespmem:s24], [sflag:$0x4], $0x80, $0x38;
	[tilespmem:$0xCF00] =	vst v63  }
0x11f: {  	s24 =	sadd.s32 $0xB030, s25;
	s26 =	sadd.s32 $0x60, s23;
	s25 =	sadd.s32 $0xB0B8, s25  }
0x120: {  	[hbm4b:s26+s3] =	stream.linear.scatter [tilespmem:s24], [sflag:$0x4], $0x80, $0x38;
	[tilespmem:$0xCF00] =	vst v63  }
0x121: {  	s26 =	sadd.s32 $0x70, s23;
	s23 =	sadd.s32 $0x400, s23;
	s24 =	smov.u32 s28  }
0x122: {  	[hbm4b:s26+s3] =	stream.linear.scatter [tilespmem:s25], [sflag:$0x4], $0x80, $0x38;
	[tilespmem:$0xCF00] =	vst v63  }
0x123: {  	s24 =	sadd.s32 $0xAD00, s22  }
0x124: {  	[hbm4b:s23+s3] =	stream.linear.scatter [tilespmem:s24], [sflag:$0x4], $0x80, $0x38;
	[tilespmem:$0xCF00] =	vst v63  }
0x125: {  	s30 =	sadd.s32 $0xAD88, s22;
	s31 =	sadd.s32 $0x10, s23  }
0x126: {  	[hbm4b:s31+s3] =	stream.linear.scatter [tilespmem:s30], [sflag:$0x4], $0x80, $0x38;
	[tilespmem:$0xCF00] =	vst v63  }
0x127: {  	s25 =	sadd.s32 $0xAE10, s22;
	s26 =	sadd.s32 $0x20, s23  }
0x128: {  	[hbm4b:s26+s3] =	stream.linear.scatter [tilespmem:s25], [sflag:$0x4], $0x80, $0x38;
	[tilespmem:$0xCF00] =	vst v63  }
0x129: {  	s28 =	sadd.s32 $0xAE98, s22;
	s29 =	sadd.s32 $0x30, s23  }
0x12a: {  	[hbm4b:s29+s3] =	stream.linear.scatter [tilespmem:s28], [sflag:$0x4], $0x80, $0x38;
	[tilespmem:$0xCF00] =	vst v63  }
0x12b: {  	s30 =	sadd.s32 $0xAF20, s22;
	s31 =	sadd.s32 $0x40, s23  }
0x12c: {  	[hbm4b:s31+s3] =	stream.linear.scatter [tilespmem:s30], [sflag:$0x4], $0x80, $0x38;
	[tilespmem:$0xCF00] =	vst v63  }
0x12d: {  	s25 =	sadd.s32 $0xAFA8, s22;
	s26 =	sadd.s32 $0x50, s23  }
0x12e: {  	[hbm4b:s26+s3] =	stream.linear.scatter [tilespmem:s25], [sflag:$0x4], $0x80, $0x38;
	[tilespmem:$0xCF00] =	vst v63  }
.Ltmp6:
0x12f: {  	_ = 	snop;
	(pc) =	sbr.rel @p1 .LBB2_12-.Ltmp6, $4  }
0x130: {  	s28 =	sadd.s32 $0xB030, s22;
	s29 =	sadd.s32 $0x60, s23  }
0x131: {  	[hbm4b:s29+s3] =	stream.linear.scatter [tilespmem:s28], [sflag:$0x4], $0x80, $0x38;
	[tilespmem:$0xCF00] =	vst v63  }
0x132: {  	s30 =	sadd.s32 $0xB0B8, s22;
	s31 =	sadd.s32 $0x70, s23  }
0x133: {  	[hbm4b:s31+s3] =	stream.linear.scatter [tilespmem:s30], [sflag:$0x4], $0x80, $0x38;
	[tilespmem:$0xCF00] =	vst v63  }
.Ltmp7:
0x134: {  	(pc) =	sbr.rel .LBB2_2-.Ltmp7, $4  }
0x135: {  	s22 =	sshll.u32 s21, $0x8  }
0x136: {  	s22 =	sand.u32 $0x3FFFFF00, s22  }
0x137: {  	s21 =	sadd.s32 $0x1, s21;
	s22 =	sadd.s32 $0x180, s22  }
0x138: {  	[tilespmem:s13], [sflag:$0x2] =	stream.indirect.gather [hbm4b:s4+s11], $0x40, s22, s11, $0xb8;
	[tilespmem:$0xCF00] =	vst v63  }
.LBB2_13:
0x139: {  	_ =	sfence.sel $0x180000  }
0x13a: {  	[bflag:$0x0] =	sbarrier.arrive $0xFFFF  }
0x13b: {  	p0 =	sne.s32 s0, $0x0;
	_ =	strace $0x90000047  }
0x13c: {  	s0 =	sadd.s32 @!p0 $0x100000, s1;
	[bflag:$0x2] =	sbarrier.arrive $0xFFFF  }
0x13d: {  	[sflag:s0] =	ssyncadd.tile.s32 @!p0 $0x1;
	_ =	shalt  }
.Lfunc_end2:
_tile_overlayer_lowered:
.L_overlay_start_2:
0x13e: {  	(tag) =	ssettag $0x2  }
0x13f: {  	s0 =	rddreg [dreg:$0x0];
	s2 =	stileid.u32  }
0x140: {  	s1 =	rddreg [dreg:$0x1];
	p0 =	sne.s32 s2, $0x0  }
0x141: {  	s3 =	rddreg [dreg:$0x2];
	[bflag:$0x3] =	sbarrier.arrive $0xFFFF;
	s2 =	simm.s32 @!p0 $0x1C05  }
0x142: {  	[timem:s3], [sflag:s2] =	dma.local @!p0 [hbm:s0], s1  }
0x143: {  	s0 =	simm.s32 @!p0 $0x5  }
0x144: {  	_ =	swait.ge @!p0 [sflag:s0], s1  }
0x145: {  	s1 =	ssub.s32 @!p0 $0x0, s1;
	[sflag:s0] =	ssyncset.done @!p0 $0x0  }
0x146: {  	[sflag:s0] =	ssyncadd.s32 @!p0 s1  }
0x147: {  	[bflag:$0x3] =	sbarrier.arrive $0xFFFF  }
0x148: {  	_ =	shalt  }

</sc_bundles>
